<compile_context>
chip_gen: v7x
topology: tpu7x:2x2x1
jax: 0.10.2.dev20260603
libtpu: 0.0.44.dev20260713+nightly
codegen_flags: <defaults>
</compile_context>

<pallas_src>
import functools

import jax
import jax.numpy as jnp
from jax import lax
from jax.experimental import pallas as pl
from jax.experimental.pallas import tpu as pltpu, tpu_sc as plsc

EPS = 1e-12

NC = 2
NS = 16
NW = NC * NS
CHUNK = 32
NBUF = 3
NSLICE = 2
ROWS = 1024


def _sc_gather_body(n_chunks, nb,
                    ids_hbm, table_hbm, out_hbm,
                    idx_v, rows_v, in_sems, out_sems):
    wid = lax.axis_index("s") * NC + lax.axis_index("c")
    tok_w = n_chunks * CHUNK
    src = wid * tok_w
    pltpu.sync_copy(ids_hbm.at[pl.ds(src, tok_w)], idx_v)

    base = wid * tok_w
    ins = [None] * nb
    outs = [None] * nb
    for c in range(min(nb - 1, n_chunks)):
        ins[c] = pltpu.async_copy(
            table_hbm.at[idx_v.at[pl.ds(c * CHUNK, CHUNK)]],
            rows_v.at[c], in_sems.at[c])
    for c in range(n_chunks):
        slot = c % nb
        ins[slot].wait()
        nxt = c + nb - 1
        if nxt < n_chunks:
            tsl = nxt % nb
            if outs[tsl] is not None:
                outs[tsl].wait()
                outs[tsl] = None
            ins[tsl] = pltpu.async_copy(
                table_hbm.at[idx_v.at[pl.ds(nxt * CHUNK, CHUNK)]],
                rows_v.at[tsl], in_sems.at[tsl])
        outs[slot] = pltpu.async_copy(
            rows_v.at[slot], out_hbm.at[pl.ds(base + c * CHUNK, CHUNK)],
            out_sems.at[slot])
    for slot in range(nb):
        if outs[slot] is not None:
            outs[slot].wait()


def _sc_gather(ids_slice, word_emb):
    hid = word_emb.shape[1]
    n_slice_tok = ids_slice.shape[0]
    n_chunks = n_slice_tok // NW // CHUNK
    nb = min(NBUF, n_chunks + 1)
    mesh = plsc.VectorSubcoreMesh(
        core_axis_name="c", subcore_axis_name="s", num_cores=NC)
    run = pl.kernel(
        functools.partial(_sc_gather_body, n_chunks, nb),
        out_type=jax.ShapeDtypeStruct((n_slice_tok, hid), jnp.float32),
        mesh=mesh,
        scratch_types=[
            pltpu.VMEM((n_chunks * CHUNK,), jnp.int32),
            pltpu.VMEM((nb, CHUNK, hid), jnp.float32),
            pltpu.SemaphoreType.DMA((nb,)),
            pltpu.SemaphoreType.DMA((nb,)),
        ],
    )
    return run(ids_slice, word_emb)


def _ln_body(g_ref, pos_ref, tt_ref, te_ref, gamma_ref, beta_ref, o_ref):
    x = g_ref[...]
    tt = tt_ref[0, 0, :].astype(jnp.float32)[:, None]
    t0 = te_ref[0, :][None, :]
    t1 = te_ref[1, :][None, :]
    x = x + pos_ref[...] + t0 + tt * (t1 - t0)
    mean = jnp.mean(x, axis=1, keepdims=True)
    xc = x - mean
    var = jnp.mean(xc * xc, axis=1, keepdims=True)
    inv = lax.rsqrt(var + EPS)
    o_ref[...] = xc * inv * gamma_ref[...] + beta_ref[...]


def _ln_body_alias(g_ref, pos_ref, tt_ref, te_ref, gamma_ref, beta_ref,
                   oprev_ref, o_ref):
    del oprev_ref
    _ln_body(g_ref, pos_ref, tt_ref, te_ref, gamma_ref, beta_ref, o_ref)


def kernel(input_ids, token_type_ids, word_emb, pos_emb, type_emb, gamma, beta):
    b, s = input_ids.shape
    hid = word_emb.shape[1]
    n_tok = b * s
    s_slice = s // NSLICE
    sb = s_slice // ROWS
    n_blk_b = s // ROWS

    ids_sliced = input_ids.reshape(b, NSLICE, s_slice)
    tt3 = token_type_ids.reshape(n_tok // ROWS, 1, ROWS)
    gamma2 = gamma.reshape(1, hid)
    beta2 = beta.reshape(1, hid)

    out = None
    for k in range(NSLICE):
        ids_k = ids_sliced[:, k, :].reshape(b * s_slice)
        gathered = _sc_gather(ids_k, word_emb)

        in_specs = [
            pl.BlockSpec((ROWS, hid), lambda i, j: (j * sb + i, 0)),
            pl.BlockSpec((ROWS, hid),
                         functools.partial(lambda k_, i, j: (k_ * sb + i, 0), k)),
            pl.BlockSpec((1, 1, ROWS),
                         functools.partial(
                             lambda k_, i, j: (j * n_blk_b + k_ * sb + i, 0, 0), k)),
            pl.BlockSpec((2, hid), lambda i, j: (0, 0)),
            pl.BlockSpec((1, hid), lambda i, j: (0, 0)),
            pl.BlockSpec((1, hid), lambda i, j: (0, 0)),
        ]
        out_spec = pl.BlockSpec(
            (ROWS, hid),
            functools.partial(lambda k_, i, j: (j * n_blk_b + k_ * sb + i, 0), k))
        out_shape = jax.ShapeDtypeStruct((n_tok, hid), jnp.float32)
        args = [gathered, pos_emb, tt3, type_emb, gamma2, beta2]

        if out is None:
            out = pl.pallas_call(
                _ln_body, grid=(sb, b), in_specs=in_specs,
                out_specs=out_spec, out_shape=out_shape,
            )(*args)
        else:
            out = pl.pallas_call(
                _ln_body_alias, grid=(sb, b),
                in_specs=in_specs + [pl.BlockSpec(memory_space=pl.ANY)],
                out_specs=out_spec, out_shape=out_shape,
                input_output_aliases={6: 0},
            )(*args, out)

    return out.reshape(b, s, hid)

# --- scband reference (transcript-rebuilt; emitter-appended) ---
"""Pipeline reference for scband-bert-embeddings-2894807957923 (READ-ONLY COPY).

The authoritative reference and input builder live on the scoring server;
editing this copy changes nothing except your own understanding.
"""

import jax, jax.numpy as jnp
import numpy as np

VOCAB = 30522
HID = 1024
MAX_POS = 2048
TYPE_VOCAB = 2
EPS = 1e-12
B, S = 4, 2048


def setup_inputs(seed: int = 0) -> dict:
    key = jax.random.key(seed)
    k1, k2, k3, k4, k5 = jax.random.split(key, 5)
    input_ids = jax.random.randint(k1, (B, S), 0, VOCAB, dtype=jnp.int32)
    token_type_ids = jax.random.randint(k2, (B, S), 0, TYPE_VOCAB, dtype=jnp.int32)
    word_emb = jax.random.normal(k3, (VOCAB, HID), dtype=jnp.float32) * 0.02
    # padding_idx=0 -> row 0 is zeros
    word_emb = word_emb.at[0].set(0.0)
    pos_emb = jax.random.normal(k4, (MAX_POS, HID), dtype=jnp.float32) * 0.02
    type_emb = jax.random.normal(k5, (TYPE_VOCAB, HID), dtype=jnp.float32) * 0.02
    gamma = jnp.ones((HID,), dtype=jnp.float32)
    beta = jnp.zeros((HID,), dtype=jnp.float32)
    return {
        "input_ids": input_ids,
        "token_type_ids": token_type_ids,
        "word_emb": word_emb,
        "pos_emb": pos_emb,
        "type_emb": type_emb,
        "gamma": gamma,
        "beta": beta,
    }


def reference(input_ids, token_type_ids, word_emb, pos_emb, type_emb, gamma, beta):
    seq_length = input_ids.shape[1]
    position_ids = jnp.arange(seq_length, dtype=jnp.int32)[None, :]
    position_ids = jnp.broadcast_to(position_ids, input_ids.shape)

    inputs_embeds = jnp.take(word_emb, input_ids, axis=0)
    position_embeddings = jnp.take(pos_emb, position_ids, axis=0)
    token_type_embeddings = jnp.take(type_emb, token_type_ids, axis=0)

    embeddings = inputs_embeds + position_embeddings + token_type_embeddings

    mean = jnp.mean(embeddings, axis=-1, keepdims=True)
    var = jnp.mean(jnp.square(embeddings - mean), axis=-1, keepdims=True)
    normed = (embeddings - mean) / jnp.sqrt(var + EPS)
    out = normed * gamma + beta
    # dropout p=0.0 (eval) -> identity
    return out

if __name__ == "__main__":
    import jax
    _d = setup_inputs()
    print(jax.jit(kernel)(*tuple(_d.values())))

</pallas_src>

<mosaic_0001>
#map = affine_map<(d0, d1) -> (0)>
#map1 = affine_map<(d0, d1) -> (0, 0)>
module attributes {stable_mosaic.version = 14 : i64} {
  func.func @_sc_gather_body(%arg0: i32, %arg1: i32, %arg2: memref<4096xi32, #tpu.memory_space<hbm>>, %arg3: memref<30522x1024xf32, #tpu.memory_space<hbm>>, %arg4: memref<4096x1024xf32, #tpu.memory_space<hbm>>, %arg5: memref<128xi32, #tpu.memory_space<vmem>>, %arg6: memref<3x32x1024xf32, #tpu.memory_space<vmem>>, %arg7: memref<3x!tpu.dma_semaphore, #tpu.memory_space<semaphore_mem>>, %arg8: memref<3x!tpu.dma_semaphore, #tpu.memory_space<semaphore_mem>>) attributes {dimension_semantics = [#tpu.dimension_semantics<core_parallel>, #tpu.dimension_semantics<subcore_parallel>], iteration_bounds = array<i64: 2, 16>, scalar_prefetch = 0 : i64, scratch_operands = 4 : i64, tpu.core_type = #tpu.core_type<sc_vector_subcore>, window_params = [{transform_indices = #map}, {transform_indices = #map1}, {transform_indices = #map1}]} {
    %mul3A = arith.constant 2 : i32
    %mul3A_0 = arith.muli %arg1, %mul3A : i32
    %add3A = arith.addi %mul3A_0, %arg0 : i32
    %mul3A_1 = arith.constant 128 : i32
    %mul3A_2 = arith.muli %add3A, %mul3A_1 : i32
    "tpu.region"() ({
      %run_scoped3A = tpu.sem_alloc : memref<!tpu.dma_semaphore, #tpu.memory_space<semaphore_mem>>
      %dma_start3A_243 = tpu.memref_slice %arg2[%mul3A_2] : memref<4096xi32, #tpu.memory_space<hbm>> -> memref<128xi32, #tpu.memory_space<hbm>>
      %dma_start3A_244 = tpu.memref_slice %arg2[%mul3A_2] : memref<4096xi32, #tpu.memory_space<hbm>> -> memref<128xi32, #tpu.memory_space<hbm>>
      tpu.enqueue_dma source(%dma_start3A_244 : memref<128xi32, #tpu.memory_space<hbm>>) target(%arg5 : memref<128xi32, #tpu.memory_space<vmem>>) target_semaphore(%run_scoped3A : memref<!tpu.dma_semaphore, #tpu.memory_space<semaphore_mem>>)
      %dma_wait3A_245 = tpu.memref_slice %arg2[%mul3A_2] : memref<4096xi32, #tpu.memory_space<hbm>> -> memref<128xi32, #tpu.memory_space<hbm>>
      %dma_wait3A_246 = tpu.memref_slice %arg2[%mul3A_2] : memref<4096xi32, #tpu.memory_space<hbm>> -> memref<128xi32, #tpu.memory_space<hbm>>
      tpu.wait_dma2 semaphore(%run_scoped3A : memref<!tpu.dma_semaphore, #tpu.memory_space<semaphore_mem>>) src(%dma_wait3A_246 : memref<128xi32, #tpu.memory_space<hbm>>) dst(%arg5 : memref<128xi32, #tpu.memory_space<vmem>>)
      tpu.yield
    }) : () -> ()
    %mul3A_3 = arith.constant 128 : i32
    %mul3A_4 = arith.muli %add3A, %mul3A_3 : i32
    %dma_start3A = arith.constant 0 : i32
    %dma_start3A_5 = arith.constant 0 : i32
    %dma_start3A_6 = arith.constant 0 : i32
    %dma_start3A_7 = arith.constant 0 : i32
    %dma_start3A_8 = tpu.memref_slice %arg6[%dma_start3A, %dma_start3A_6, %dma_start3A_7] : memref<3x32x1024xf32, #tpu.memory_space<vmem>> -> memref<1x32x1024xf32, #tpu.memory_space<vmem>>
    %dma_start3A_9 = tpu.memref_squeeze %dma_start3A_8 : memref<1x32x1024xf32, #tpu.memory_space<vmem>> -> memref<32x1024xf32, #tpu.memory_space<vmem>>
    %dma_start3A_10 = arith.constant 0 : i32
    %dma_start3A_11 = tpu.memref_slice %arg5[%dma_start3A_10] : memref<128xi32, #tpu.memory_space<vmem>> -> memref<32xi32, #tpu.memory_space<vmem>>
    %dma_start3A_12 = arith.constant 0 : i32
    %dma_start3A_13 = arith.constant 0 : i32
    %dma_start3A_14 = tpu.memref_slice %arg3[%dma_start3A_12, %dma_start3A_13] : memref<30522x1024xf32, #tpu.memory_space<hbm>> -> memref<30522x1024xf32, #tpu.memory_space<hbm>>
    %dma_start3A_15 = tpu.memref_slice %arg7[%dma_start3A_5] : memref<3x!tpu.dma_semaphore, #tpu.memory_space<semaphore_mem>> -> memref<1x!tpu.dma_semaphore, #tpu.memory_space<semaphore_mem>>
    %dma_start3A_16 = tpu.memref_squeeze %dma_start3A_15 : memref<1x!tpu.dma_semaphore, #tpu.memory_space<semaphore_mem>> -> memref<!tpu.dma_semaphore, #tpu.memory_space<semaphore_mem>>
    tpu.enqueue_indirect_dma source(%dma_start3A_14 : memref<30522x1024xf32, #tpu.memory_space<hbm>>) target(%dma_start3A_9 : memref<32x1024xf32, #tpu.memory_space<vmem>>) offsets(%dma_start3A_11 : memref<32xi32, #tpu.memory_space<vmem>>) semaphore(%dma_start3A_16 : memref<!tpu.dma_semaphore, #tpu.memory_space<semaphore_mem>>)
    %dma_start3A_17 = arith.constant 1 : i32
    %dma_start3A_18 = arith.constant 1 : i32
    %dma_start3A_19 = arith.constant 0 : i32
    %dma_start3A_20 = arith.constant 0 : i32
    %dma_start3A_21 = tpu.memref_slice %arg6[%dma_start3A_17, %dma_start3A_19, %dma_start3A_20] : memref<3x32x1024xf32, #tpu.memory_space<vmem>> -> memref<1x32x1024xf32, #tpu.memory_space<vmem>>
    %dma_start3A_22 = tpu.memref_squeeze %dma_start3A_21 : memref<1x32x1024xf32, #tpu.memory_space<vmem>> -> memref<32x1024xf32, #tpu.memory_space<vmem>>
    %dma_start3A_23 = arith.constant 32 : i32
    %dma_start3A_24 = tpu.memref_slice %arg5[%dma_start3A_23] : memref<128xi32, #tpu.memory_space<vmem>> -> memref<32xi32, #tpu.memory_space<vmem>>
    %dma_start3A_25 = arith.constant 0 : i32
    %dma_start3A_26 = arith.constant 0 : i32
    %dma_start3A_27 = tpu.memref_slice %arg3[%dma_start3A_25, %dma_start3A_26] : memref<30522x1024xf32, #tpu.memory_space<hbm>> -> memref<30522x1024xf32, #tpu.memory_space<hbm>>
    %dma_start3A_28 = tpu.memref_slice %arg7[%dma_start3A_18] : memref<3x!tpu.dma_semaphore, #tpu.memory_space<semaphore_mem>> -> memref<1x!tpu.dma_semaphore, #tpu.memory_space<semaphore_mem>>
    %dma_start3A_29 = tpu.memref_squeeze %dma_start3A_28 : memref<1x!tpu.dma_semaphore, #tpu.memory_space<semaphore_mem>> -> memref<!tpu.dma_semaphore, #tpu.memory_space<semaphore_mem>>
    tpu.enqueue_indirect_dma source(%dma_start3A_27 : memref<30522x1024xf32, #tpu.memory_space<hbm>>) target(%dma_start3A_22 : memref<32x1024xf32, #tpu.memory_space<vmem>>) offsets(%dma_start3A_24 : memref<32xi32, #tpu.memory_space<vmem>>) semaphore(%dma_start3A_29 : memref<!tpu.dma_semaphore, #tpu.memory_space<semaphore_mem>>)
    %dma_wait3A = arith.constant 0 : i32
    %dma_wait3A_30 = arith.constant 0 : i32
    %dma_wait3A_31 = arith.constant 0 : i32
    %dma_wait3A_32 = arith.constant 0 : i32
    %dma_wait3A_33 = tpu.memref_slice %arg6[%dma_wait3A, %dma_wait3A_31, %dma_wait3A_32] : memref<3x32x1024xf32, #tpu.memory_space<vmem>> -> memref<1x32x1024xf32, #tpu.memory_space<vmem>>
    %dma_wait3A_34 = tpu.memref_squeeze %dma_wait3A_33 : memref<1x32x1024xf32, #tpu.memory_space<vmem>> -> memref<32x1024xf32, #tpu.memory_space<vmem>>
    %dma_wait3A_35 = arith.constant 0 : i32
    %dma_wait3A_36 = tpu.memref_slice %arg5[%dma_wait3A_35] : memref<128xi32, #tpu.memory_space<vmem>> -> memref<32xi32, #tpu.memory_space<vmem>>
    %dma_wait3A_37 = arith.constant 0 : i32
    %dma_wait3A_38 = arith.constant 0 : i32
    %dma_wait3A_39 = tpu.memref_slice %arg3[%dma_wait3A_37, %dma_wait3A_38] : memref<30522x1024xf32, #tpu.memory_space<hbm>> -> memref<30522x1024xf32, #tpu.memory_space<hbm>>
    %dma_wait3A_40 = tpu.memref_slice %arg7[%dma_wait3A_30] : memref<3x!tpu.dma_semaphore, #tpu.memory_space<semaphore_mem>> -> memref<1x!tpu.dma_semaphore, #tpu.memory_space<semaphore_mem>>
    %dma_wait3A_41 = tpu.memref_squeeze %dma_wait3A_40 : memref<1x!tpu.dma_semaphore, #tpu.memory_space<semaphore_mem>> -> memref<!tpu.dma_semaphore, #tpu.memory_space<semaphore_mem>>
    tpu.wait_indirect_dma semaphore(%dma_wait3A_41 : memref<!tpu.dma_semaphore, #tpu.memory_space<semaphore_mem>>) src(%dma_wait3A_39 : memref<30522x1024xf32, #tpu.memory_space<hbm>>) dst(%dma_wait3A_34 : memref<32x1024xf32, #tpu.memory_space<vmem>>)
    %dma_start3A_42 = arith.constant 2 : i32
    %dma_start3A_43 = arith.constant 2 : i32
    %dma_start3A_44 = arith.constant 0 : i32
    %dma_start3A_45 = arith.constant 0 : i32
    %dma_start3A_46 = tpu.memref_slice %arg6[%dma_start3A_42, %dma_start3A_44, %dma_start3A_45] : memref<3x32x1024xf32, #tpu.memory_space<vmem>> -> memref<1x32x1024xf32, #tpu.memory_space<vmem>>
    %dma_start3A_47 = tpu.memref_squeeze %dma_start3A_46 : memref<1x32x1024xf32, #tpu.memory_space<vmem>> -> memref<32x1024xf32, #tpu.memory_space<vmem>>
    %dma_start3A_48 = arith.constant 64 : i32
    %dma_start3A_49 = tpu.memref_slice %arg5[%dma_start3A_48] : memref<128xi32, #tpu.memory_space<vmem>> -> memref<32xi32, #tpu.memory_space<vmem>>
    %dma_start3A_50 = arith.constant 0 : i32
    %dma_start3A_51 = arith.constant 0 : i32
    %dma_start3A_52 = tpu.memref_slice %arg3[%dma_start3A_50, %dma_start3A_51] : memref<30522x1024xf32, #tpu.memory_space<hbm>> -> memref<30522x1024xf32, #tpu.memory_space<hbm>>
    %dma_start3A_53 = tpu.memref_slice %arg7[%dma_start3A_43] : memref<3x!tpu.dma_semaphore, #tpu.memory_space<semaphore_mem>> -> memref<1x!tpu.dma_semaphore, #tpu.memory_space<semaphore_mem>>
    %dma_start3A_54 = tpu.memref_squeeze %dma_start3A_53 : memref<1x!tpu.dma_semaphore, #tpu.memory_space<semaphore_mem>> -> memref<!tpu.dma_semaphore, #tpu.memory_space<semaphore_mem>>
    tpu.enqueue_indirect_dma source(%dma_start3A_52 : memref<30522x1024xf32, #tpu.memory_space<hbm>>) target(%dma_start3A_47 : memref<32x1024xf32, #tpu.memory_space<vmem>>) offsets(%dma_start3A_49 : memref<32xi32, #tpu.memory_space<vmem>>) semaphore(%dma_start3A_54 : memref<!tpu.dma_semaphore, #tpu.memory_space<semaphore_mem>>)
    %add3A_55 = arith.constant 0 : i32
    %add3A_56 = arith.addi %mul3A_4, %add3A_55 : i32
    %dma_start3A_57 = arith.constant 0 : i32
    %dma_start3A_58 = arith.constant 0 : i32
    %dma_start3A_59 = arith.constant 0 : i32
    %dma_start3A_60 = arith.constant 0 : i32
    %dma_start3A_61 = tpu.memref_slice %arg6[%dma_start3A_57, %dma_start3A_59, %dma_start3A_60] : memref<3x32x1024xf32, #tpu.memory_space<vmem>> -> memref<1x32x1024xf32, #tpu.memory_space<vmem>>
    %dma_start3A_62 = tpu.memref_squeeze %dma_start3A_61 : memref<1x32x1024xf32, #tpu.memory_space<vmem>> -> memref<32x1024xf32, #tpu.memory_space<vmem>>
    %dma_start3A_63 = arith.constant 0 : i32
    %dma_start3A_64 = tpu.memref_slice %arg4[%add3A_56, %dma_start3A_63] : memref<4096x1024xf32, #tpu.memory_space<hbm>> -> memref<32x1024xf32, #tpu.memory_space<hbm>>
    %dma_start3A_65 = tpu.memref_slice %arg8[%dma_start3A_58] : memref<3x!tpu.dma_semaphore, #tpu.memory_space<semaphore_mem>> -> memref<1x!tpu.dma_semaphore, #tpu.memory_space<semaphore_mem>>
    %dma_start3A_66 = tpu.memref_squeeze %dma_start3A_65 : memref<1x!tpu.dma_semaphore, #tpu.memory_space<semaphore_mem>> -> memref<!tpu.dma_semaphore, #tpu.memory_space<semaphore_mem>>
    %dma_start3A_67 = arith.constant 0 : i32
    %dma_start3A_68 = tpu.memref_slice %arg4[%add3A_56, %dma_start3A_67] : memref<4096x1024xf32, #tpu.memory_space<hbm>> -> memref<32x1024xf32, #tpu.memory_space<hbm>>
    %dma_start3A_69 = arith.constant 0 : i32
    %dma_start3A_70 = arith.constant 0 : i32
    %dma_start3A_71 = tpu.memref_slice %arg6[%dma_start3A_57, %dma_start3A_69, %dma_start3A_70] : memref<3x32x1024xf32, #tpu.memory_space<vmem>> -> memref<1x32x1024xf32, #tpu.memory_space<vmem>>
    %dma_start3A_72 = tpu.memref_squeeze %dma_start3A_71 : memref<1x32x1024xf32, #tpu.memory_space<vmem>> -> memref<32x1024xf32, #tpu.memory_space<vmem>>
    tpu.enqueue_dma source(%dma_start3A_72 : memref<32x1024xf32, #tpu.memory_space<vmem>>) target(%dma_start3A_68 : memref<32x1024xf32, #tpu.memory_space<hbm>>) target_semaphore(%dma_start3A_66 : memref<!tpu.dma_semaphore, #tpu.memory_space<semaphore_mem>>)
    %dma_wait3A_73 = arith.constant 1 : i32
    %dma_wait3A_74 = arith.constant 1 : i32
    %dma_wait3A_75 = arith.constant 0 : i32
    %dma_wait3A_76 = arith.constant 0 : i32
    %dma_wait3A_77 = tpu.memref_slice %arg6[%dma_wait3A_73, %dma_wait3A_75, %dma_wait3A_76] : memref<3x32x1024xf32, #tpu.memory_space<vmem>> -> memref<1x32x1024xf32, #tpu.memory_space<vmem>>
    %dma_wait3A_78 = tpu.memref_squeeze %dma_wait3A_77 : memref<1x32x1024xf32, #tpu.memory_space<vmem>> -> memref<32x1024xf32, #tpu.memory_space<vmem>>
    %dma_wait3A_79 = arith.constant 32 : i32
    %dma_wait3A_80 = tpu.memref_slice %arg5[%dma_wait3A_79] : memref<128xi32, #tpu.memory_space<vmem>> -> memref<32xi32, #tpu.memory_space<vmem>>
    %dma_wait3A_81 = arith.constant 0 : i32
    %dma_wait3A_82 = arith.constant 0 : i32
    %dma_wait3A_83 = tpu.memref_slice %arg3[%dma_wait3A_81, %dma_wait3A_82] : memref<30522x1024xf32, #tpu.memory_space<hbm>> -> memref<30522x1024xf32, #tpu.memory_space<hbm>>
    %dma_wait3A_84 = tpu.memref_slice %arg7[%dma_wait3A_74] : memref<3x!tpu.dma_semaphore, #tpu.memory_space<semaphore_mem>> -> memref<1x!tpu.dma_semaphore, #tpu.memory_space<semaphore_mem>>
    %dma_wait3A_85 = tpu.memref_squeeze %dma_wait3A_84 : memref<1x!tpu.dma_semaphore, #tpu.memory_space<semaphore_mem>> -> memref<!tpu.dma_semaphore, #tpu.memory_space<semaphore_mem>>
    tpu.wait_indirect_dma semaphore(%dma_wait3A_85 : memref<!tpu.dma_semaphore, #tpu.memory_space<semaphore_mem>>) src(%dma_wait3A_83 : memref<30522x1024xf32, #tpu.memory_space<hbm>>) dst(%dma_wait3A_78 : memref<32x1024xf32, #tpu.memory_space<vmem>>)
    %dma_wait3A_86 = arith.constant 0 : i32
    %dma_wait3A_87 = arith.constant 0 : i32
    %dma_wait3A_88 = arith.constant 0 : i32
    %dma_wait3A_89 = arith.constant 0 : i32
    %dma_wait3A_90 = tpu.memref_slice %arg6[%dma_wait3A_86, %dma_wait3A_88, %dma_wait3A_89] : memref<3x32x1024xf32, #tpu.memory_space<vmem>> -> memref<1x32x1024xf32, #tpu.memory_space<vmem>>
    %dma_wait3A_91 = tpu.memref_squeeze %dma_wait3A_90 : memref<1x32x1024xf32, #tpu.memory_space<vmem>> -> memref<32x1024xf32, #tpu.memory_space<vmem>>
    %dma_wait3A_92 = arith.constant 0 : i32
    %dma_wait3A_93 = tpu.memref_slice %arg4[%add3A_56, %dma_wait3A_92] : memref<4096x1024xf32, #tpu.memory_space<hbm>> -> memref<32x1024xf32, #tpu.memory_space<hbm>>
    %dma_wait3A_94 = tpu.memref_slice %arg8[%dma_wait3A_87] : memref<3x!tpu.dma_semaphore, #tpu.memory_space<semaphore_mem>> -> memref<1x!tpu.dma_semaphore, #tpu.memory_space<semaphore_mem>>
    %dma_wait3A_95 = tpu.memref_squeeze %dma_wait3A_94 : memref<1x!tpu.dma_semaphore, #tpu.memory_space<semaphore_mem>> -> memref<!tpu.dma_semaphore, #tpu.memory_space<semaphore_mem>>
    %dma_wait3A_96 = arith.constant 0 : i32
    %dma_wait3A_97 = tpu.memref_slice %arg4[%add3A_56, %dma_wait3A_96] : memref<4096x1024xf32, #tpu.memory_space<hbm>> -> memref<32x1024xf32, #tpu.memory_space<hbm>>
    %dma_wait3A_98 = arith.constant 0 : i32
    %dma_wait3A_99 = arith.constant 0 : i32
    %dma_wait3A_100 = tpu.memref_slice %arg6[%dma_wait3A_86, %dma_wait3A_98, %dma_wait3A_99] : memref<3x32x1024xf32, #tpu.memory_space<vmem>> -> memref<1x32x1024xf32, #tpu.memory_space<vmem>>
    %dma_wait3A_101 = tpu.memref_squeeze %dma_wait3A_100 : memref<1x32x1024xf32, #tpu.memory_space<vmem>> -> memref<32x1024xf32, #tpu.memory_space<vmem>>
    tpu.wait_dma2 semaphore(%dma_wait3A_95 : memref<!tpu.dma_semaphore, #tpu.memory_space<semaphore_mem>>) src(%dma_wait3A_101 : memref<32x1024xf32, #tpu.memory_space<vmem>>) dst(%dma_wait3A_97 : memref<32x1024xf32, #tpu.memory_space<hbm>>)
    %dma_start3A_102 = arith.constant 0 : i32
    %dma_start3A_103 = arith.constant 0 : i32
    %dma_start3A_104 = arith.constant 0 : i32
    %dma_start3A_105 = arith.constant 0 : i32
    %dma_start3A_106 = tpu.memref_slice %arg6[%dma_start3A_102, %dma_start3A_104, %dma_start3A_105] : memref<3x32x1024xf32, #tpu.memory_space<vmem>> -> memref<1x32x1024xf32, #tpu.memory_space<vmem>>
    %dma_start3A_107 = tpu.memref_squeeze %dma_start3A_106 : memref<1x32x1024xf32, #tpu.memory_space<vmem>> -> memref<32x1024xf32, #tpu.memory_space<vmem>>
    %dma_start3A_108 = arith.constant 96 : i32
    %dma_start3A_109 = tpu.memref_slice %arg5[%dma_start3A_108] : memref<128xi32, #tpu.memory_space<vmem>> -> memref<32xi32, #tpu.memory_space<vmem>>
    %dma_start3A_110 = arith.constant 0 : i32
    %dma_start3A_111 = arith.constant 0 : i32
    %dma_start3A_112 = tpu.memref_slice %arg3[%dma_start3A_110, %dma_start3A_111] : memref<30522x1024xf32, #tpu.memory_space<hbm>> -> memref<30522x1024xf32, #tpu.memory_space<hbm>>
    %dma_start3A_113 = tpu.memref_slice %arg7[%dma_start3A_103] : memref<3x!tpu.dma_semaphore, #tpu.memory_space<semaphore_mem>> -> memref<1x!tpu.dma_semaphore, #tpu.memory_space<semaphore_mem>>
    %dma_start3A_114 = tpu.memref_squeeze %dma_start3A_113 : memref<1x!tpu.dma_semaphore, #tpu.memory_space<semaphore_mem>> -> memref<!tpu.dma_semaphore, #tpu.memory_space<semaphore_mem>>
    tpu.enqueue_indirect_dma source(%dma_start3A_112 : memref<30522x1024xf32, #tpu.memory_space<hbm>>) target(%dma_start3A_107 : memref<32x1024xf32, #tpu.memory_space<vmem>>) offsets(%dma_start3A_109 : memref<32xi32, #tpu.memory_space<vmem>>) semaphore(%dma_start3A_114 : memref<!tpu.dma_semaphore, #tpu.memory_space<semaphore_mem>>)
    %add3A_115 = arith.constant 32 : i32
    %add3A_116 = arith.addi %mul3A_4, %add3A_115 : i32
    %dma_start3A_117 = arith.constant 1 : i32
    %dma_start3A_118 = arith.constant 1 : i32
    %dma_start3A_119 = arith.constant 0 : i32
    %dma_start3A_120 = arith.constant 0 : i32
    %dma_start3A_121 = tpu.memref_slice %arg6[%dma_start3A_117, %dma_start3A_119, %dma_start3A_120] : memref<3x32x1024xf32, #tpu.memory_space<vmem>> -> memref<1x32x1024xf32, #tpu.memory_space<vmem>>
    %dma_start3A_122 = tpu.memref_squeeze %dma_start3A_121 : memref<1x32x1024xf32, #tpu.memory_space<vmem>> -> memref<32x1024xf32, #tpu.memory_space<vmem>>
    %dma_start3A_123 = arith.constant 0 : i32
    %dma_start3A_124 = tpu.memref_slice %arg4[%add3A_116, %dma_start3A_123] : memref<4096x1024xf32, #tpu.memory_space<hbm>> -> memref<32x1024xf32, #tpu.memory_space<hbm>>
    %dma_start3A_125 = tpu.memref_slice %arg8[%dma_start3A_118] : memref<3x!tpu.dma_semaphore, #tpu.memory_space<semaphore_mem>> -> memref<1x!tpu.dma_semaphore, #tpu.memory_space<semaphore_mem>>
    %dma_start3A_126 = tpu.memref_squeeze %dma_start3A_125 : memref<1x!tpu.dma_semaphore, #tpu.memory_space<semaphore_mem>> -> memref<!tpu.dma_semaphore, #tpu.memory_space<semaphore_mem>>
    %dma_start3A_127 = arith.constant 0 : i32
    %dma_start3A_128 = tpu.memref_slice %arg4[%add3A_116, %dma_start3A_127] : memref<4096x1024xf32, #tpu.memory_space<hbm>> -> memref<32x1024xf32, #tpu.memory_space<hbm>>
    %dma_start3A_129 = arith.constant 0 : i32
    %dma_start3A_130 = arith.constant 0 : i32
    %dma_start3A_131 = tpu.memref_slice %arg6[%dma_start3A_117, %dma_start3A_129, %dma_start3A_130] : memref<3x32x1024xf32, #tpu.memory_space<vmem>> -> memref<1x32x1024xf32, #tpu.memory_space<vmem>>
    %dma_start3A_132 = tpu.memref_squeeze %dma_start3A_131 : memref<1x32x1024xf32, #tpu.memory_space<vmem>> -> memref<32x1024xf32, #tpu.memory_space<vmem>>
    tpu.enqueue_dma source(%dma_start3A_132 : memref<32x1024xf32, #tpu.memory_space<vmem>>) target(%dma_start3A_128 : memref<32x1024xf32, #tpu.memory_space<hbm>>) target_semaphore(%dma_start3A_126 : memref<!tpu.dma_semaphore, #tpu.memory_space<semaphore_mem>>)
    %dma_wait3A_133 = arith.constant 2 : i32
    %dma_wait3A_134 = arith.constant 2 : i32
    %dma_wait3A_135 = arith.constant 0 : i32
    %dma_wait3A_136 = arith.constant 0 : i32
    %dma_wait3A_137 = tpu.memref_slice %arg6[%dma_wait3A_133, %dma_wait3A_135, %dma_wait3A_136] : memref<3x32x1024xf32, #tpu.memory_space<vmem>> -> memref<1x32x1024xf32, #tpu.memory_space<vmem>>
    %dma_wait3A_138 = tpu.memref_squeeze %dma_wait3A_137 : memref<1x32x1024xf32, #tpu.memory_space<vmem>> -> memref<32x1024xf32, #tpu.memory_space<vmem>>
    %dma_wait3A_139 = arith.constant 64 : i32
    %dma_wait3A_140 = tpu.memref_slice %arg5[%dma_wait3A_139] : memref<128xi32, #tpu.memory_space<vmem>> -> memref<32xi32, #tpu.memory_space<vmem>>
    %dma_wait3A_141 = arith.constant 0 : i32
    %dma_wait3A_142 = arith.constant 0 : i32
    %dma_wait3A_143 = tpu.memref_slice %arg3[%dma_wait3A_141, %dma_wait3A_142] : memref<30522x1024xf32, #tpu.memory_space<hbm>> -> memref<30522x1024xf32, #tpu.memory_space<hbm>>
    %dma_wait3A_144 = tpu.memref_slice %arg7[%dma_wait3A_134] : memref<3x!tpu.dma_semaphore, #tpu.memory_space<semaphore_mem>> -> memref<1x!tpu.dma_semaphore, #tpu.memory_space<semaphore_mem>>
    %dma_wait3A_145 = tpu.memref_squeeze %dma_wait3A_144 : memref<1x!tpu.dma_semaphore, #tpu.memory_space<semaphore_mem>> -> memref<!tpu.dma_semaphore, #tpu.memory_space<semaphore_mem>>
    tpu.wait_indirect_dma semaphore(%dma_wait3A_145 : memref<!tpu.dma_semaphore, #tpu.memory_space<semaphore_mem>>) src(%dma_wait3A_143 : memref<30522x1024xf32, #tpu.memory_space<hbm>>) dst(%dma_wait3A_138 : memref<32x1024xf32, #tpu.memory_space<vmem>>)
    %add3A_146 = arith.constant 64 : i32
    %add3A_147 = arith.addi %mul3A_4, %add3A_146 : i32
    %dma_start3A_148 = arith.constant 2 : i32
    %dma_start3A_149 = arith.constant 2 : i32
    %dma_start3A_150 = arith.constant 0 : i32
    %dma_start3A_151 = arith.constant 0 : i32
    %dma_start3A_152 = tpu.memref_slice %arg6[%dma_start3A_148, %dma_start3A_150, %dma_start3A_151] : memref<3x32x1024xf32, #tpu.memory_space<vmem>> -> memref<1x32x1024xf32, #tpu.memory_space<vmem>>
    %dma_start3A_153 = tpu.memref_squeeze %dma_start3A_152 : memref<1x32x1024xf32, #tpu.memory_space<vmem>> -> memref<32x1024xf32, #tpu.memory_space<vmem>>
    %dma_start3A_154 = arith.constant 0 : i32
    %dma_start3A_155 = tpu.memref_slice %arg4[%add3A_147, %dma_start3A_154] : memref<4096x1024xf32, #tpu.memory_space<hbm>> -> memref<32x1024xf32, #tpu.memory_space<hbm>>
    %dma_start3A_156 = tpu.memref_slice %arg8[%dma_start3A_149] : memref<3x!tpu.dma_semaphore, #tpu.memory_space<semaphore_mem>> -> memref<1x!tpu.dma_semaphore, #tpu.memory_space<semaphore_mem>>
    %dma_start3A_157 = tpu.memref_squeeze %dma_start3A_156 : memref<1x!tpu.dma_semaphore, #tpu.memory_space<semaphore_mem>> -> memref<!tpu.dma_semaphore, #tpu.memory_space<semaphore_mem>>
    %dma_start3A_158 = arith.constant 0 : i32
    %dma_start3A_159 = tpu.memref_slice %arg4[%add3A_147, %dma_start3A_158] : memref<4096x1024xf32, #tpu.memory_space<hbm>> -> memref<32x1024xf32, #tpu.memory_space<hbm>>
    %dma_start3A_160 = arith.constant 0 : i32
    %dma_start3A_161 = arith.constant 0 : i32
    %dma_start3A_162 = tpu.memref_slice %arg6[%dma_start3A_148, %dma_start3A_160, %dma_start3A_161] : memref<3x32x1024xf32, #tpu.memory_space<vmem>> -> memref<1x32x1024xf32, #tpu.memory_space<vmem>>
    %dma_start3A_163 = tpu.memref_squeeze %dma_start3A_162 : memref<1x32x1024xf32, #tpu.memory_space<vmem>> -> memref<32x1024xf32, #tpu.memory_space<vmem>>
    tpu.enqueue_dma source(%dma_start3A_163 : memref<32x1024xf32, #tpu.memory_space<vmem>>) target(%dma_start3A_159 : memref<32x1024xf32, #tpu.memory_space<hbm>>) target_semaphore(%dma_start3A_157 : memref<!tpu.dma_semaphore, #tpu.memory_space<semaphore_mem>>)
    %dma_wait3A_164 = arith.constant 0 : i32
    %dma_wait3A_165 = arith.constant 0 : i32
    %dma_wait3A_166 = arith.constant 0 : i32
    %dma_wait3A_167 = arith.constant 0 : i32
    %dma_wait3A_168 = tpu.memref_slice %arg6[%dma_wait3A_164, %dma_wait3A_166, %dma_wait3A_167] : memref<3x32x1024xf32, #tpu.memory_space<vmem>> -> memref<1x32x1024xf32, #tpu.memory_space<vmem>>
    %dma_wait3A_169 = tpu.memref_squeeze %dma_wait3A_168 : memref<1x32x1024xf32, #tpu.memory_space<vmem>> -> memref<32x1024xf32, #tpu.memory_space<vmem>>
    %dma_wait3A_170 = arith.constant 96 : i32
    %dma_wait3A_171 = tpu.memref_slice %arg5[%dma_wait3A_170] : memref<128xi32, #tpu.memory_space<vmem>> -> memref<32xi32, #tpu.memory_space<vmem>>
    %dma_wait3A_172 = arith.constant 0 : i32
    %dma_wait3A_173 = arith.constant 0 : i32
    %dma_wait3A_174 = tpu.memref_slice %arg3[%dma_wait3A_172, %dma_wait3A_173] : memref<30522x1024xf32, #tpu.memory_space<hbm>> -> memref<30522x1024xf32, #tpu.memory_space<hbm>>
    %dma_wait3A_175 = tpu.memref_slice %arg7[%dma_wait3A_165] : memref<3x!tpu.dma_semaphore, #tpu.memory_space<semaphore_mem>> -> memref<1x!tpu.dma_semaphore, #tpu.memory_space<semaphore_mem>>
    %dma_wait3A_176 = tpu.memref_squeeze %dma_wait3A_175 : memref<1x!tpu.dma_semaphore, #tpu.memory_space<semaphore_mem>> -> memref<!tpu.dma_semaphore, #tpu.memory_space<semaphore_mem>>
    tpu.wait_indirect_dma semaphore(%dma_wait3A_176 : memref<!tpu.dma_semaphore, #tpu.memory_space<semaphore_mem>>) src(%dma_wait3A_174 : memref<30522x1024xf32, #tpu.memory_space<hbm>>) dst(%dma_wait3A_169 : memref<32x1024xf32, #tpu.memory_space<vmem>>)
    %add3A_177 = arith.constant 96 : i32
    %add3A_178 = arith.addi %mul3A_4, %add3A_177 : i32
    %dma_start3A_179 = arith.constant 0 : i32
    %dma_start3A_180 = arith.constant 0 : i32
    %dma_start3A_181 = arith.constant 0 : i32
    %dma_start3A_182 = arith.constant 0 : i32
    %dma_start3A_183 = tpu.memref_slice %arg6[%dma_start3A_179, %dma_start3A_181, %dma_start3A_182] : memref<3x32x1024xf32, #tpu.memory_space<vmem>> -> memref<1x32x1024xf32, #tpu.memory_space<vmem>>
    %dma_start3A_184 = tpu.memref_squeeze %dma_start3A_183 : memref<1x32x1024xf32, #tpu.memory_space<vmem>> -> memref<32x1024xf32, #tpu.memory_space<vmem>>
    %dma_start3A_185 = arith.constant 0 : i32
    %dma_start3A_186 = tpu.memref_slice %arg4[%add3A_178, %dma_start3A_185] : memref<4096x1024xf32, #tpu.memory_space<hbm>> -> memref<32x1024xf32, #tpu.memory_space<hbm>>
    %dma_start3A_187 = tpu.memref_slice %arg8[%dma_start3A_180] : memref<3x!tpu.dma_semaphore, #tpu.memory_space<semaphore_mem>> -> memref<1x!tpu.dma_semaphore, #tpu.memory_space<semaphore_mem>>
    %dma_start3A_188 = tpu.memref_squeeze %dma_start3A_187 : memref<1x!tpu.dma_semaphore, #tpu.memory_space<semaphore_mem>> -> memref<!tpu.dma_semaphore, #tpu.memory_space<semaphore_mem>>
    %dma_start3A_189 = arith.constant 0 : i32
    %dma_start3A_190 = tpu.memref_slice %arg4[%add3A_178, %dma_start3A_189] : memref<4096x1024xf32, #tpu.memory_space<hbm>> -> memref<32x1024xf32, #tpu.memory_space<hbm>>
    %dma_start3A_191 = arith.constant 0 : i32
    %dma_start3A_192 = arith.constant 0 : i32
    %dma_start3A_193 = tpu.memref_slice %arg6[%dma_start3A_179, %dma_start3A_191, %dma_start3A_192] : memref<3x32x1024xf32, #tpu.memory_space<vmem>> -> memref<1x32x1024xf32, #tpu.memory_space<vmem>>
    %dma_start3A_194 = tpu.memref_squeeze %dma_start3A_193 : memref<1x32x1024xf32, #tpu.memory_space<vmem>> -> memref<32x1024xf32, #tpu.memory_space<vmem>>
    tpu.enqueue_dma source(%dma_start3A_194 : memref<32x1024xf32, #tpu.memory_space<vmem>>) target(%dma_start3A_190 : memref<32x1024xf32, #tpu.memory_space<hbm>>) target_semaphore(%dma_start3A_188 : memref<!tpu.dma_semaphore, #tpu.memory_space<semaphore_mem>>)
    %dma_wait3A_195 = arith.constant 0 : i32
    %dma_wait3A_196 = arith.constant 0 : i32
    %dma_wait3A_197 = arith.constant 0 : i32
    %dma_wait3A_198 = arith.constant 0 : i32
    %dma_wait3A_199 = tpu.memref_slice %arg6[%dma_wait3A_195, %dma_wait3A_197, %dma_wait3A_198] : memref<3x32x1024xf32, #tpu.memory_space<vmem>> -> memref<1x32x1024xf32, #tpu.memory_space<vmem>>
    %dma_wait3A_200 = tpu.memref_squeeze %dma_wait3A_199 : memref<1x32x1024xf32, #tpu.memory_space<vmem>> -> memref<32x1024xf32, #tpu.memory_space<vmem>>
    %dma_wait3A_201 = arith.constant 0 : i32
    %dma_wait3A_202 = tpu.memref_slice %arg4[%add3A_178, %dma_wait3A_201] : memref<4096x1024xf32, #tpu.memory_space<hbm>> -> memref<32x1024xf32, #tpu.memory_space<hbm>>
    %dma_wait3A_203 = tpu.memref_slice %arg8[%dma_wait3A_196] : memref<3x!tpu.dma_semaphore, #tpu.memory_space<semaphore_mem>> -> memref<1x!tpu.dma_semaphore, #tpu.memory_space<semaphore_mem>>
    %dma_wait3A_204 = tpu.memref_squeeze %dma_wait3A_203 : memref<1x!tpu.dma_semaphore, #tpu.memory_space<semaphore_mem>> -> memref<!tpu.dma_semaphore, #tpu.memory_space<semaphore_mem>>
    %dma_wait3A_205 = arith.constant 0 : i32
    %dma_wait3A_206 = tpu.memref_slice %arg4[%add3A_178, %dma_wait3A_205] : memref<4096x1024xf32, #tpu.memory_space<hbm>> -> memref<32x1024xf32, #tpu.memory_space<hbm>>
    %dma_wait3A_207 = arith.constant 0 : i32
    %dma_wait3A_208 = arith.constant 0 : i32
    %dma_wait3A_209 = tpu.memref_slice %arg6[%dma_wait3A_195, %dma_wait3A_207, %dma_wait3A_208] : memref<3x32x1024xf32, #tpu.memory_space<vmem>> -> memref<1x32x1024xf32, #tpu.memory_space<vmem>>
    %dma_wait3A_210 = tpu.memref_squeeze %dma_wait3A_209 : memref<1x32x1024xf32, #tpu.memory_space<vmem>> -> memref<32x1024xf32, #tpu.memory_space<vmem>>
    tpu.wait_dma2 semaphore(%dma_wait3A_204 : memref<!tpu.dma_semaphore, #tpu.memory_space<semaphore_mem>>) src(%dma_wait3A_210 : memref<32x1024xf32, #tpu.memory_space<vmem>>) dst(%dma_wait3A_206 : memref<32x1024xf32, #tpu.memory_space<hbm>>)
    %dma_wait3A_211 = arith.constant 1 : i32
    %dma_wait3A_212 = arith.constant 1 : i32
    %dma_wait3A_213 = arith.constant 0 : i32
    %dma_wait3A_214 = arith.constant 0 : i32
    %dma_wait3A_215 = tpu.memref_slice %arg6[%dma_wait3A_211, %dma_wait3A_213, %dma_wait3A_214] : memref<3x32x1024xf32, #tpu.memory_space<vmem>> -> memref<1x32x1024xf32, #tpu.memory_space<vmem>>
    %dma_wait3A_216 = tpu.memref_squeeze %dma_wait3A_215 : memref<1x32x1024xf32, #tpu.memory_space<vmem>> -> memref<32x1024xf32, #tpu.memory_space<vmem>>
    %dma_wait3A_217 = arith.constant 0 : i32
    %dma_wait3A_218 = tpu.memref_slice %arg4[%add3A_116, %dma_wait3A_217] : memref<4096x1024xf32, #tpu.memory_space<hbm>> -> memref<32x1024xf32, #tpu.memory_space<hbm>>
    %dma_wait3A_219 = tpu.memref_slice %arg8[%dma_wait3A_212] : memref<3x!tpu.dma_semaphore, #tpu.memory_space<semaphore_mem>> -> memref<1x!tpu.dma_semaphore, #tpu.memory_space<semaphore_mem>>
    %dma_wait3A_220 = tpu.memref_squeeze %dma_wait3A_219 : memref<1x!tpu.dma_semaphore, #tpu.memory_space<semaphore_mem>> -> memref<!tpu.dma_semaphore, #tpu.memory_space<semaphore_mem>>
    %dma_wait3A_221 = arith.constant 0 : i32
    %dma_wait3A_222 = tpu.memref_slice %arg4[%add3A_116, %dma_wait3A_221] : memref<4096x1024xf32, #tpu.memory_space<hbm>> -> memref<32x1024xf32, #tpu.memory_space<hbm>>
    %dma_wait3A_223 = arith.constant 0 : i32
    %dma_wait3A_224 = arith.constant 0 : i32
    %dma_wait3A_225 = tpu.memref_slice %arg6[%dma_wait3A_211, %dma_wait3A_223, %dma_wait3A_224] : memref<3x32x1024xf32, #tpu.memory_space<vmem>> -> memref<1x32x1024xf32, #tpu.memory_space<vmem>>
    %dma_wait3A_226 = tpu.memref_squeeze %dma_wait3A_225 : memref<1x32x1024xf32, #tpu.memory_space<vmem>> -> memref<32x1024xf32, #tpu.memory_space<vmem>>
    tpu.wait_dma2 semaphore(%dma_wait3A_220 : memref<!tpu.dma_semaphore, #tpu.memory_space<semaphore_mem>>) src(%dma_wait3A_226 : memref<32x1024xf32, #tpu.memory_space<vmem>>) dst(%dma_wait3A_222 : memref<32x1024xf32, #tpu.memory_space<hbm>>)
    %dma_wait3A_227 = arith.constant 2 : i32
    %dma_wait3A_228 = arith.constant 2 : i32
    %dma_wait3A_229 = arith.constant 0 : i32
    %dma_wait3A_230 = arith.constant 0 : i32
    %dma_wait3A_231 = tpu.memref_slice %arg6[%dma_wait3A_227, %dma_wait3A_229, %dma_wait3A_230] : memref<3x32x1024xf32, #tpu.memory_space<vmem>> -> memref<1x32x1024xf32, #tpu.memory_space<vmem>>
    %dma_wait3A_232 = tpu.memref_squeeze %dma_wait3A_231 : memref<1x32x1024xf32, #tpu.memory_space<vmem>> -> memref<32x1024xf32, #tpu.memory_space<vmem>>
    %dma_wait3A_233 = arith.constant 0 : i32
    %dma_wait3A_234 = tpu.memref_slice %arg4[%add3A_147, %dma_wait3A_233] : memref<4096x1024xf32, #tpu.memory_space<hbm>> -> memref<32x1024xf32, #tpu.memory_space<hbm>>
    %dma_wait3A_235 = tpu.memref_slice %arg8[%dma_wait3A_228] : memref<3x!tpu.dma_semaphore, #tpu.memory_space<semaphore_mem>> -> memref<1x!tpu.dma_semaphore, #tpu.memory_space<semaphore_mem>>
    %dma_wait3A_236 = tpu.memref_squeeze %dma_wait3A_235 : memref<1x!tpu.dma_semaphore, #tpu.memory_space<semaphore_mem>> -> memref<!tpu.dma_semaphore, #tpu.memory_space<semaphore_mem>>
    %dma_wait3A_237 = arith.constant 0 : i32
    %dma_wait3A_238 = tpu.memref_slice %arg4[%add3A_147, %dma_wait3A_237] : memref<4096x1024xf32, #tpu.memory_space<hbm>> -> memref<32x1024xf32, #tpu.memory_space<hbm>>
    %dma_wait3A_239 = arith.constant 0 : i32
    %dma_wait3A_240 = arith.constant 0 : i32
    %dma_wait3A_241 = tpu.memref_slice %arg6[%dma_wait3A_227, %dma_wait3A_239, %dma_wait3A_240] : memref<3x32x1024xf32, #tpu.memory_space<vmem>> -> memref<1x32x1024xf32, #tpu.memory_space<vmem>>
    %dma_wait3A_242 = tpu.memref_squeeze %dma_wait3A_241 : memref<1x32x1024xf32, #tpu.memory_space<vmem>> -> memref<32x1024xf32, #tpu.memory_space<vmem>>
    tpu.wait_dma2 semaphore(%dma_wait3A_236 : memref<!tpu.dma_semaphore, #tpu.memory_space<semaphore_mem>>) src(%dma_wait3A_242 : memref<32x1024xf32, #tpu.memory_space<vmem>>) dst(%dma_wait3A_238 : memref<32x1024xf32, #tpu.memory_space<hbm>>)
    return
  }
}

#map = affine_map<(d0, d1) -> (0)>
#map1 = affine_map<(d0, d1) -> (0, 0)>
module attributes {stable_mosaic.version = 14 : i64} {
  func.func @_sc_gather_body(%arg0: i32, %arg1: i32, %arg2: memref<4096xi32, #tpu.memory_space<hbm>>, %arg3: memref<30522x1024xf32, #tpu.memory_space<hbm>>, %arg4: memref<4096x1024xf32, #tpu.memory_space<hbm>>, %arg5: memref<128xi32, #tpu.memory_space<vmem>>, %arg6: memref<3x32x1024xf32, #tpu.memory_space<vmem>>, %arg7: memref<3x!tpu.dma_semaphore, #tpu.memory_space<semaphore_mem>>, %arg8: memref<3x!tpu.dma_semaphore, #tpu.memory_space<semaphore_mem>>) attributes {dimension_semantics = [#tpu.dimension_semantics<core_parallel>, #tpu.dimension_semantics<subcore_parallel>], iteration_bounds = array<i64: 2, 16>, scalar_prefetch = 0 : i64, scratch_operands = 4 : i64, tpu.core_type = #tpu.core_type<sc_vector_subcore>, window_params = [{transform_indices = #map}, {transform_indices = #map1}, {transform_indices = #map1}]} {
    %mul3A = arith.constant 2 : i32
    %mul3A_0 = arith.muli %arg1, %mul3A : i32
    %add3A = arith.addi %mul3A_0, %arg0 : i32
    %mul3A_1 = arith.constant 128 : i32
    %mul3A_2 = arith.muli %add3A, %mul3A_1 : i32
    "tpu.region"() ({
      %run_scoped3A = tpu.sem_alloc : memref<!tpu.dma_semaphore, #tpu.memory_space<semaphore_mem>>
      %dma_start3A_243 = tpu.memref_slice %arg2[%mul3A_2] : memref<4096xi32, #tpu.memory_space<hbm>> -> memref<128xi32, #tpu.memory_space<hbm>>
      %dma_start3A_244 = tpu.memref_slice %arg2[%mul3A_2] : memref<4096xi32, #tpu.memory_space<hbm>> -> memref<128xi32, #tpu.memory_space<hbm>>
      tpu.enqueue_dma source(%dma_start3A_244 : memref<128xi32, #tpu.memory_space<hbm>>) target(%arg5 : memref<128xi32, #tpu.memory_space<vmem>>) target_semaphore(%run_scoped3A : memref<!tpu.dma_semaphore, #tpu.memory_space<semaphore_mem>>)
      %dma_wait3A_245 = tpu.memref_slice %arg2[%mul3A_2] : memref<4096xi32, #tpu.memory_space<hbm>> -> memref<128xi32, #tpu.memory_space<hbm>>
      %dma_wait3A_246 = tpu.memref_slice %arg2[%mul3A_2] : memref<4096xi32, #tpu.memory_space<hbm>> -> memref<128xi32, #tpu.memory_space<hbm>>
      tpu.wait_dma2 semaphore(%run_scoped3A : memref<!tpu.dma_semaphore, #tpu.memory_space<semaphore_mem>>) src(%dma_wait3A_246 : memref<128xi32, #tpu.memory_space<hbm>>) dst(%arg5 : memref<128xi32, #tpu.memory_space<vmem>>)
      tpu.yield
    }) : () -> ()
    %mul3A_3 = arith.constant 128 : i32
    %mul3A_4 = arith.muli %add3A, %mul3A_3 : i32
    %dma_start3A = arith.constant 0 : i32
    %dma_start3A_5 = arith.constant 0 : i32
    %dma_start3A_6 = arith.constant 0 : i32
    %dma_start3A_7 = arith.constant 0 : i32
    %dma_start3A_8 = tpu.memref_slice %arg6[%dma_start3A, %dma_start3A_6, %dma_start3A_7] : memref<3x32x1024xf32, #tpu.memory_space<vmem>> -> memref<1x32x1024xf32, #tpu.memory_space<vmem>>
    %dma_start3A_9 = tpu.memref_squeeze %dma_start3A_8 : memref<1x32x1024xf32, #tpu.memory_space<vmem>> -> memref<32x1024xf32, #tpu.memory_space<vmem>>
    %dma_start3A_10 = arith.constant 0 : i32
    %dma_start3A_11 = tpu.memref_slice %arg5[%dma_start3A_10] : memref<128xi32, #tpu.memory_space<vmem>> -> memref<32xi32, #tpu.memory_space<vmem>>
    %dma_start3A_12 = arith.constant 0 : i32
    %dma_start3A_13 = arith.constant 0 : i32
    %dma_start3A_14 = tpu.memref_slice %arg3[%dma_start3A_12, %dma_start3A_13] : memref<30522x1024xf32, #tpu.memory_space<hbm>> -> memref<30522x1024xf32, #tpu.memory_space<hbm>>
    %dma_start3A_15 = tpu.memref_slice %arg7[%dma_start3A_5] : memref<3x!tpu.dma_semaphore, #tpu.memory_space<semaphore_mem>> -> memref<1x!tpu.dma_semaphore, #tpu.memory_space<semaphore_mem>>
    %dma_start3A_16 = tpu.memref_squeeze %dma_start3A_15 : memref<1x!tpu.dma_semaphore, #tpu.memory_space<semaphore_mem>> -> memref<!tpu.dma_semaphore, #tpu.memory_space<semaphore_mem>>
    tpu.enqueue_indirect_dma source(%dma_start3A_14 : memref<30522x1024xf32, #tpu.memory_space<hbm>>) target(%dma_start3A_9 : memref<32x1024xf32, #tpu.memory_space<vmem>>) offsets(%dma_start3A_11 : memref<32xi32, #tpu.memory_space<vmem>>) semaphore(%dma_start3A_16 : memref<!tpu.dma_semaphore, #tpu.memory_space<semaphore_mem>>)
    %dma_start3A_17 = arith.constant 1 : i32
    %dma_start3A_18 = arith.constant 1 : i32
    %dma_start3A_19 = arith.constant 0 : i32
    %dma_start3A_20 = arith.constant 0 : i32
    %dma_start3A_21 = tpu.memref_slice %arg6[%dma_start3A_17, %dma_start3A_19, %dma_start3A_20] : memref<3x32x1024xf32, #tpu.memory_space<vmem>> -> memref<1x32x1024xf32, #tpu.memory_space<vmem>>
    %dma_start3A_22 = tpu.memref_squeeze %dma_start3A_21 : memref<1x32x1024xf32, #tpu.memory_space<vmem>> -> memref<32x1024xf32, #tpu.memory_space<vmem>>
    %dma_start3A_23 = arith.constant 32 : i32
    %dma_start3A_24 = tpu.memref_slice %arg5[%dma_start3A_23] : memref<128xi32, #tpu.memory_space<vmem>> -> memref<32xi32, #tpu.memory_space<vmem>>
    %dma_start3A_25 = arith.constant 0 : i32
    %dma_start3A_26 = arith.constant 0 : i32
    %dma_start3A_27 = tpu.memref_slice %arg3[%dma_start3A_25, %dma_start3A_26] : memref<30522x1024xf32, #tpu.memory_space<hbm>> -> memref<30522x1024xf32, #tpu.memory_space<hbm>>
    %dma_start3A_28 = tpu.memref_slice %arg7[%dma_start3A_18] : memref<3x!tpu.dma_semaphore, #tpu.memory_space<semaphore_mem>> -> memref<1x!tpu.dma_semaphore, #tpu.memory_space<semaphore_mem>>
    %dma_start3A_29 = tpu.memref_squeeze %dma_start3A_28 : memref<1x!tpu.dma_semaphore, #tpu.memory_space<semaphore_mem>> -> memref<!tpu.dma_semaphore, #tpu.memory_space<semaphore_mem>>
    tpu.enqueue_indirect_dma source(%dma_start3A_27 : memref<30522x1024xf32, #tpu.memory_space<hbm>>) target(%dma_start3A_22 : memref<32x1024xf32, #tpu.memory_space<vmem>>) offsets(%dma_start3A_24 : memref<32xi32, #tpu.memory_space<vmem>>) semaphore(%dma_start3A_29 : memref<!tpu.dma_semaphore, #tpu.memory_space<semaphore_mem>>)
    %dma_wait3A = arith.constant 0 : i32
    %dma_wait3A_30 = arith.constant 0 : i32
    %dma_wait3A_31 = arith.constant 0 : i32
    %dma_wait3A_32 = arith.constant 0 : i32
    %dma_wait3A_33 = tpu.memref_slice %arg6[%dma_wait3A, %dma_wait3A_31, %dma_wait3A_32] : memref<3x32x1024xf32, #tpu.memory_space<vmem>> -> memref<1x32x1024xf32, #tpu.memory_space<vmem>>
    %dma_wait3A_34 = tpu.memref_squeeze %dma_wait3A_33 : memref<1x32x1024xf32, #tpu.memory_space<vmem>> -> memref<32x1024xf32, #tpu.memory_space<vmem>>
    %dma_wait3A_35 = arith.constant 0 : i32
    %dma_wait3A_36 = tpu.memref_slice %arg5[%dma_wait3A_35] : memref<128xi32, #tpu.memory_space<vmem>> -> memref<32xi32, #tpu.memory_space<vmem>>
    %dma_wait3A_37 = arith.constant 0 : i32
    %dma_wait3A_38 = arith.constant 0 : i32
    %dma_wait3A_39 = tpu.memref_slice %arg3[%dma_wait3A_37, %dma_wait3A_38] : memref<30522x1024xf32, #tpu.memory_space<hbm>> -> memref<30522x1024xf32, #tpu.memory_space<hbm>>
    %dma_wait3A_40 = tpu.memref_slice %arg7[%dma_wait3A_30] : memref<3x!tpu.dma_semaphore, #tpu.memory_space<semaphore_mem>> -> memref<1x!tpu.dma_semaphore, #tpu.memory_space<semaphore_mem>>
    %dma_wait3A_41 = tpu.memref_squeeze %dma_wait3A_40 : memref<1x!tpu.dma_semaphore, #tpu.memory_space<semaphore_mem>> -> memref<!tpu.dma_semaphore, #tpu.memory_space<semaphore_mem>>
    tpu.wait_indirect_dma semaphore(%dma_wait3A_41 : memref<!tpu.dma_semaphore, #tpu.memory_space<semaphore_mem>>) src(%dma_wait3A_39 : memref<30522x1024xf32, #tpu.memory_space<hbm>>) dst(%dma_wait3A_34 : memref<32x1024xf32, #tpu.memory_space<vmem>>)
    %dma_start3A_42 = arith.constant 2 : i32
    %dma_start3A_43 = arith.constant 2 : i32
    %dma_start3A_44 = arith.constant 0 : i32
    %dma_start3A_45 = arith.constant 0 : i32
    %dma_start3A_46 = tpu.memref_slice %arg6[%dma_start3A_42, %dma_start3A_44, %dma_start3A_45] : memref<3x32x1024xf32, #tpu.memory_space<vmem>> -> memref<1x32x1024xf32, #tpu.memory_space<vmem>>
    %dma_start3A_47 = tpu.memref_squeeze %dma_start3A_46 : memref<1x32x1024xf32, #tpu.memory_space<vmem>> -> memref<32x1024xf32, #tpu.memory_space<vmem>>
    %dma_start3A_48 = arith.constant 64 : i32
    %dma_start3A_49 = tpu.memref_slice %arg5[%dma_start3A_48] : memref<128xi32, #tpu.memory_space<vmem>> -> memref<32xi32, #tpu.memory_space<vmem>>
    %dma_start3A_50 = arith.constant 0 : i32
    %dma_start3A_51 = arith.constant 0 : i32
    %dma_start3A_52 = tpu.memref_slice %arg3[%dma_start3A_50, %dma_start3A_51] : memref<30522x1024xf32, #tpu.memory_space<hbm>> -> memref<30522x1024xf32, #tpu.memory_space<hbm>>
    %dma_start3A_53 = tpu.memref_slice %arg7[%dma_start3A_43] : memref<3x!tpu.dma_semaphore, #tpu.memory_space<semaphore_mem>> -> memref<1x!tpu.dma_semaphore, #tpu.memory_space<semaphore_mem>>
    %dma_start3A_54 = tpu.memref_squeeze %dma_start3A_53 : memref<1x!tpu.dma_semaphore, #tpu.memory_space<semaphore_mem>> -> memref<!tpu.dma_semaphore, #tpu.memory_space<semaphore_mem>>
    tpu.enqueue_indirect_dma source(%dma_start3A_52 : memref<30522x1024xf32, #tpu.memory_space<hbm>>) target(%dma_start3A_47 : memref<32x1024xf32, #tpu.memory_space<vmem>>) offsets(%dma_start3A_49 : memref<32xi32, #tpu.memory_space<vmem>>) semaphore(%dma_start3A_54 : memref<!tpu.dma_semaphore, #tpu.memory_space<semaphore_mem>>)
    %add3A_55 = arith.constant 0 : i32
    %add3A_56 = arith.addi %mul3A_4, %add3A_55 : i32
    %dma_start3A_57 = arith.constant 0 : i32
    %dma_start3A_58 = arith.constant 0 : i32
    %dma_start3A_59 = arith.constant 0 : i32
    %dma_start3A_60 = arith.constant 0 : i32
    %dma_start3A_61 = tpu.memref_slice %arg6[%dma_start3A_57, %dma_start3A_59, %dma_start3A_60] : memref<3x32x1024xf32, #tpu.memory_space<vmem>> -> memref<1x32x1024xf32, #tpu.memory_space<vmem>>
    %dma_start3A_62 = tpu.memref_squeeze %dma_start3A_61 : memref<1x32x1024xf32, #tpu.memory_space<vmem>> -> memref<32x1024xf32, #tpu.memory_space<vmem>>
    %dma_start3A_63 = arith.constant 0 : i32
    %dma_start3A_64 = tpu.memref_slice %arg4[%add3A_56, %dma_start3A_63] : memref<4096x1024xf32, #tpu.memory_space<hbm>> -> memref<32x1024xf32, #tpu.memory_space<hbm>>
    %dma_start3A_65 = tpu.memref_slice %arg8[%dma_start3A_58] : memref<3x!tpu.dma_semaphore, #tpu.memory_space<semaphore_mem>> -> memref<1x!tpu.dma_semaphore, #tpu.memory_space<semaphore_mem>>
    %dma_start3A_66 = tpu.memref_squeeze %dma_start3A_65 : memref<1x!tpu.dma_semaphore, #tpu.memory_space<semaphore_mem>> -> memref<!tpu.dma_semaphore, #tpu.memory_space<semaphore_mem>>
    %dma_start3A_67 = arith.constant 0 : i32
    %dma_start3A_68 = tpu.memref_slice %arg4[%add3A_56, %dma_start3A_67] : memref<4096x1024xf32, #tpu.memory_space<hbm>> -> memref<32x1024xf32, #tpu.memory_space<hbm>>
    %dma_start3A_69 = arith.constant 0 : i32
    %dma_start3A_70 = arith.constant 0 : i32
    %dma_start3A_71 = tpu.memref_slice %arg6[%dma_start3A_57, %dma_start3A_69, %dma_start3A_70] : memref<3x32x1024xf32, #tpu.memory_space<vmem>> -> memref<1x32x1024xf32, #tpu.memory_space<vmem>>
    %dma_start3A_72 = tpu.memref_squeeze %dma_start3A_71 : memref<1x32x1024xf32, #tpu.memory_space<vmem>> -> memref<32x1024xf32, #tpu.memory_space<vmem>>
    tpu.enqueue_dma source(%dma_start3A_72 : memref<32x1024xf32, #tpu.memory_space<vmem>>) target(%dma_start3A_68 : memref<32x1024xf32, #tpu.memory_space<hbm>>) target_semaphore(%dma_start3A_66 : memref<!tpu.dma_semaphore, #tpu.memory_space<semaphore_mem>>)
    %dma_wait3A_73 = arith.constant 1 : i32
    %dma_wait3A_74 = arith.constant 1 : i32
    %dma_wait3A_75 = arith.constant 0 : i32
    %dma_wait3A_76 = arith.constant 0 : i32
    %dma_wait3A_77 = tpu.memref_slice %arg6[%dma_wait3A_73, %dma_wait3A_75, %dma_wait3A_76] : memref<3x32x1024xf32, #tpu.memory_space<vmem>> -> memref<1x32x1024xf32, #tpu.memory_space<vmem>>
    %dma_wait3A_78 = tpu.memref_squeeze %dma_wait3A_77 : memref<1x32x1024xf32, #tpu.memory_space<vmem>> -> memref<32x1024xf32, #tpu.memory_space<vmem>>
    %dma_wait3A_79 = arith.constant 32 : i32
    %dma_wait3A_80 = tpu.memref_slice %arg5[%dma_wait3A_79] : memref<128xi32, #tpu.memory_space<vmem>> -> memref<32xi32, #tpu.memory_space<vmem>>
    %dma_wait3A_81 = arith.constant 0 : i32
    %dma_wait3A_82 = arith.constant 0 : i32
    %dma_wait3A_83 = tpu.memref_slice %arg3[%dma_wait3A_81, %dma_wait3A_82] : memref<30522x1024xf32, #tpu.memory_space<hbm>> -> memref<30522x1024xf32, #tpu.memory_space<hbm>>
    %dma_wait3A_84 = tpu.memref_slice %arg7[%dma_wait3A_74] : memref<3x!tpu.dma_semaphore, #tpu.memory_space<semaphore_mem>> -> memref<1x!tpu.dma_semaphore, #tpu.memory_space<semaphore_mem>>
    %dma_wait3A_85 = tpu.memref_squeeze %dma_wait3A_84 : memref<1x!tpu.dma_semaphore, #tpu.memory_space<semaphore_mem>> -> memref<!tpu.dma_semaphore, #tpu.memory_space<semaphore_mem>>
    tpu.wait_indirect_dma semaphore(%dma_wait3A_85 : memref<!tpu.dma_semaphore, #tpu.memory_space<semaphore_mem>>) src(%dma_wait3A_83 : memref<30522x1024xf32, #tpu.memory_space<hbm>>) dst(%dma_wait3A_78 : memref<32x1024xf32, #tpu.memory_space<vmem>>)
    %dma_wait3A_86 = arith.constant 0 : i32
    %dma_wait3A_87 = arith.constant 0 : i32
    %dma_wait3A_88 = arith.constant 0 : i32
    %dma_wait3A_89 = arith.constant 0 : i32
    %dma_wait3A_90 = tpu.memref_slice %arg6[%dma_wait3A_86, %dma_wait3A_88, %dma_wait3A_89] : memref<3x32x1024xf32, #tpu.memory_space<vmem>> -> memref<1x32x1024xf32, #tpu.memory_space<vmem>>
    %dma_wait3A_91 = tpu.memref_squeeze %dma_wait3A_90 : memref<1x32x1024xf32, #tpu.memory_space<vmem>> -> memref<32x1024xf32, #tpu.memory_space<vmem>>
    %dma_wait3A_92 = arith.constant 0 : i32
    %dma_wait3A_93 = tpu.memref_slice %arg4[%add3A_56, %dma_wait3A_92] : memref<4096x1024xf32, #tpu.memory_space<hbm>> -> memref<32x1024xf32, #tpu.memory_space<hbm>>
    %dma_wait3A_94 = tpu.memref_slice %arg8[%dma_wait3A_87] : memref<3x!tpu.dma_semaphore, #tpu.memory_space<semaphore_mem>> -> memref<1x!tpu.dma_semaphore, #tpu.memory_space<semaphore_mem>>
    %dma_wait3A_95 = tpu.memref_squeeze %dma_wait3A_94 : memref<1x!tpu.dma_semaphore, #tpu.memory_space<semaphore_mem>> -> memref<!tpu.dma_semaphore, #tpu.memory_space<semaphore_mem>>
    %dma_wait3A_96 = arith.constant 0 : i32
    %dma_wait3A_97 = tpu.memref_slice %arg4[%add3A_56, %dma_wait3A_96] : memref<4096x1024xf32, #tpu.memory_space<hbm>> -> memref<32x1024xf32, #tpu.memory_space<hbm>>
    %dma_wait3A_98 = arith.constant 0 : i32
    %dma_wait3A_99 = arith.constant 0 : i32
    %dma_wait3A_100 = tpu.memref_slice %arg6[%dma_wait3A_86, %dma_wait3A_98, %dma_wait3A_99] : memref<3x32x1024xf32, #tpu.memory_space<vmem>> -> memref<1x32x1024xf32, #tpu.memory_space<vmem>>
    %dma_wait3A_101 = tpu.memref_squeeze %dma_wait3A_100 : memref<1x32x1024xf32, #tpu.memory_space<vmem>> -> memref<32x1024xf32, #tpu.memory_space<vmem>>
    tpu.wait_dma2 semaphore(%dma_wait3A_95 : memref<!tpu.dma_semaphore, #tpu.memory_space<semaphore_mem>>) src(%dma_wait3A_101 : memref<32x1024xf32, #tpu.memory_space<vmem>>) dst(%dma_wait3A_97 : memref<32x1024xf32, #tpu.memory_space<hbm>>)
    %dma_start3A_102 = arith.constant 0 : i32
    %dma_start3A_103 = arith.constant 0 : i32
    %dma_start3A_104 = arith.constant 0 : i32
    %dma_start3A_105 = arith.constant 0 : i32
    %dma_start3A_106 = tpu.memref_slice %arg6[%dma_start3A_102, %dma_start3A_104, %dma_start3A_105] : memref<3x32x1024xf32, #tpu.memory_space<vmem>> -> memref<1x32x1024xf32, #tpu.memory_space<vmem>>
    %dma_start3A_107 = tpu.memref_squeeze %dma_start3A_106 : memref<1x32x1024xf32, #tpu.memory_space<vmem>> -> memref<32x1024xf32, #tpu.memory_space<vmem>>
    %dma_start3A_108 = arith.constant 96 : i32
    %dma_start3A_109 = tpu.memref_slice %arg5[%dma_start3A_108] : memref<128xi32, #tpu.memory_space<vmem>> -> memref<32xi32, #tpu.memory_space<vmem>>
    %dma_start3A_110 = arith.constant 0 : i32
    %dma_start3A_111 = arith.constant 0 : i32
    %dma_start3A_112 = tpu.memref_slice %arg3[%dma_start3A_110, %dma_start3A_111] : memref<30522x1024xf32, #tpu.memory_space<hbm>> -> memref<30522x1024xf32, #tpu.memory_space<hbm>>
    %dma_start3A_113 = tpu.memref_slice %arg7[%dma_start3A_103] : memref<3x!tpu.dma_semaphore, #tpu.memory_space<semaphore_mem>> -> memref<1x!tpu.dma_semaphore, #tpu.memory_space<semaphore_mem>>
    %dma_start3A_114 = tpu.memref_squeeze %dma_start3A_113 : memref<1x!tpu.dma_semaphore, #tpu.memory_space<semaphore_mem>> -> memref<!tpu.dma_semaphore, #tpu.memory_space<semaphore_mem>>
    tpu.enqueue_indirect_dma source(%dma_start3A_112 : memref<30522x1024xf32, #tpu.memory_space<hbm>>) target(%dma_start3A_107 : memref<32x1024xf32, #tpu.memory_space<vmem>>) offsets(%dma_start3A_109 : memref<32xi32, #tpu.memory_space<vmem>>) semaphore(%dma_start3A_114 : memref<!tpu.dma_semaphore, #tpu.memory_space<semaphore_mem>>)
    %add3A_115 = arith.constant 32 : i32
    %add3A_116 = arith.addi %mul3A_4, %add3A_115 : i32
    %dma_start3A_117 = arith.constant 1 : i32
    %dma_start3A_118 = arith.constant 1 : i32
    %dma_start3A_119 = arith.constant 0 : i32
    %dma_start3A_120 = arith.constant 0 : i32
    %dma_start3A_121 = tpu.memref_slice %arg6[%dma_start3A_117, %dma_start3A_119, %dma_start3A_120] : memref<3x32x1024xf32, #tpu.memory_space<vmem>> -> memref<1x32x1024xf32, #tpu.memory_space<vmem>>
    %dma_start3A_122 = tpu.memref_squeeze %dma_start3A_121 : memref<1x32x1024xf32, #tpu.memory_space<vmem>> -> memref<32x1024xf32, #tpu.memory_space<vmem>>
    %dma_start3A_123 = arith.constant 0 : i32
    %dma_start3A_124 = tpu.memref_slice %arg4[%add3A_116, %dma_start3A_123] : memref<4096x1024xf32, #tpu.memory_space<hbm>> -> memref<32x1024xf32, #tpu.memory_space<hbm>>
    %dma_start3A_125 = tpu.memref_slice %arg8[%dma_start3A_118] : memref<3x!tpu.dma_semaphore, #tpu.memory_space<semaphore_mem>> -> memref<1x!tpu.dma_semaphore, #tpu.memory_space<semaphore_mem>>
    %dma_start3A_126 = tpu.memref_squeeze %dma_start3A_125 : memref<1x!tpu.dma_semaphore, #tpu.memory_space<semaphore_mem>> -> memref<!tpu.dma_semaphore, #tpu.memory_space<semaphore_mem>>
    %dma_start3A_127 = arith.constant 0 : i32
    %dma_start3A_128 = tpu.memref_slice %arg4[%add3A_116, %dma_start3A_127] : memref<4096x1024xf32, #tpu.memory_space<hbm>> -> memref<32x1024xf32, #tpu.memory_space<hbm>>
    %dma_start3A_129 = arith.constant 0 : i32
    %dma_start3A_130 = arith.constant 0 : i32
    %dma_start3A_131 = tpu.memref_slice %arg6[%dma_start3A_117, %dma_start3A_129, %dma_start3A_130] : memref<3x32x1024xf32, #tpu.memory_space<vmem>> -> memref<1x32x1024xf32, #tpu.memory_space<vmem>>
    %dma_start3A_132 = tpu.memref_squeeze %dma_start3A_131 : memref<1x32x1024xf32, #tpu.memory_space<vmem>> -> memref<32x1024xf32, #tpu.memory_space<vmem>>
    tpu.enqueue_dma source(%dma_start3A_132 : memref<32x1024xf32, #tpu.memory_space<vmem>>) target(%dma_start3A_128 : memref<32x1024xf32, #tpu.memory_space<hbm>>) target_semaphore(%dma_start3A_126 : memref<!tpu.dma_semaphore, #tpu.memory_space<semaphore_mem>>)
    %dma_wait3A_133 = arith.constant 2 : i32
    %dma_wait3A_134 = arith.constant 2 : i32
    %dma_wait3A_135 = arith.constant 0 : i32
    %dma_wait3A_136 = arith.constant 0 : i32
    %dma_wait3A_137 = tpu.memref_slice %arg6[%dma_wait3A_133, %dma_wait3A_135, %dma_wait3A_136] : memref<3x32x1024xf32, #tpu.memory_space<vmem>> -> memref<1x32x1024xf32, #tpu.memory_space<vmem>>
    %dma_wait3A_138 = tpu.memref_squeeze %dma_wait3A_137 : memref<1x32x1024xf32, #tpu.memory_space<vmem>> -> memref<32x1024xf32, #tpu.memory_space<vmem>>
    %dma_wait3A_139 = arith.constant 64 : i32
    %dma_wait3A_140 = tpu.memref_slice %arg5[%dma_wait3A_139] : memref<128xi32, #tpu.memory_space<vmem>> -> memref<32xi32, #tpu.memory_space<vmem>>
    %dma_wait3A_141 = arith.constant 0 : i32
    %dma_wait3A_142 = arith.constant 0 : i32
    %dma_wait3A_143 = tpu.memref_slice %arg3[%dma_wait3A_141, %dma_wait3A_142] : memref<30522x1024xf32, #tpu.memory_space<hbm>> -> memref<30522x1024xf32, #tpu.memory_space<hbm>>
    %dma_wait3A_144 = tpu.memref_slice %arg7[%dma_wait3A_134] : memref<3x!tpu.dma_semaphore, #tpu.memory_space<semaphore_mem>> -> memref<1x!tpu.dma_semaphore, #tpu.memory_space<semaphore_mem>>
    %dma_wait3A_145 = tpu.memref_squeeze %dma_wait3A_144 : memref<1x!tpu.dma_semaphore, #tpu.memory_space<semaphore_mem>> -> memref<!tpu.dma_semaphore, #tpu.memory_space<semaphore_mem>>
    tpu.wait_indirect_dma semaphore(%dma_wait3A_145 : memref<!tpu.dma_semaphore, #tpu.memory_space<semaphore_mem>>) src(%dma_wait3A_143 : memref<30522x1024xf32, #tpu.memory_space<hbm>>) dst(%dma_wait3A_138 : memref<32x1024xf32, #tpu.memory_space<vmem>>)
    %add3A_146 = arith.constant 64 : i32
    %add3A_147 = arith.addi %mul3A_4, %add3A_146 : i32
    %dma_start3A_148 = arith.constant 2 : i32
    %dma_start3A_149 = arith.constant 2 : i32
    %dma_start3A_150 = arith.constant 0 : i32
    %dma_start3A_151 = arith.constant 0 : i32
    %dma_start3A_152 = tpu.memref_slice %arg6[%dma_start3A_148, %dma_start3A_150, %dma_start3A_151] : memref<3x32x1024xf32, #tpu.memory_space<vmem>> -> memref<1x32x1024xf32, #tpu.memory_space<vmem>>
    %dma_start3A_153 = tpu.memref_squeeze %dma_start3A_152 : memref<1x32x1024xf32, #tpu.memory_space<vmem>> -> memref<32x1024xf32, #tpu.memory_space<vmem>>
    %dma_start3A_154 = arith.constant 0 : i32
    %dma_start3A_155 = tpu.memref_slice %arg4[%add3A_147, %dma_start3A_154] : memref<4096x1024xf32, #tpu.memory_space<hbm>> -> memref<32x1024xf32, #tpu.memory_space<hbm>>
    %dma_start3A_156 = tpu.memref_slice %arg8[%dma_start3A_149] : memref<3x!tpu.dma_semaphore, #tpu.memory_space<semaphore_mem>> -> memref<1x!tpu.dma_semaphore, #tpu.memory_space<semaphore_mem>>
    %dma_start3A_157 = tpu.memref_squeeze %dma_start3A_156 : memref<1x!tpu.dma_semaphore, #tpu.memory_space<semaphore_mem>> -> memref<!tpu.dma_semaphore, #tpu.memory_space<semaphore_mem>>
    %dma_start3A_158 = arith.constant 0 : i32
    %dma_start3A_159 = tpu.memref_slice %arg4[%add3A_147, %dma_start3A_158] : memref<4096x1024xf32, #tpu.memory_space<hbm>> -> memref<32x1024xf32, #tpu.memory_space<hbm>>
    %dma_start3A_160 = arith.constant 0 : i32
    %dma_start3A_161 = arith.constant 0 : i32
    %dma_start3A_162 = tpu.memref_slice %arg6[%dma_start3A_148, %dma_start3A_160, %dma_start3A_161] : memref<3x32x1024xf32, #tpu.memory_space<vmem>> -> memref<1x32x1024xf32, #tpu.memory_space<vmem>>
    %dma_start3A_163 = tpu.memref_squeeze %dma_start3A_162 : memref<1x32x1024xf32, #tpu.memory_space<vmem>> -> memref<32x1024xf32, #tpu.memory_space<vmem>>
    tpu.enqueue_dma source(%dma_start3A_163 : memref<32x1024xf32, #tpu.memory_space<vmem>>) target(%dma_start3A_159 : memref<32x1024xf32, #tpu.memory_space<hbm>>) target_semaphore(%dma_start3A_157 : memref<!tpu.dma_semaphore, #tpu.memory_space<semaphore_mem>>)
    %dma_wait3A_164 = arith.constant 0 : i32
    %dma_wait3A_165 = arith.constant 0 : i32
    %dma_wait3A_166 = arith.constant 0 : i32
    %dma_wait3A_167 = arith.constant 0 : i32
    %dma_wait3A_168 = tpu.memref_slice %arg6[%dma_wait3A_164, %dma_wait3A_166, %dma_wait3A_167] : memref<3x32x1024xf32, #tpu.memory_space<vmem>> -> memref<1x32x1024xf32, #tpu.memory_space<vmem>>
    %dma_wait3A_169 = tpu.memref_squeeze %dma_wait3A_168 : memref<1x32x1024xf32, #tpu.memory_space<vmem>> -> memref<32x1024xf32, #tpu.memory_space<vmem>>
    %dma_wait3A_170 = arith.constant 96 : i32
    %dma_wait3A_171 = tpu.memref_slice %arg5[%dma_wait3A_170] : memref<128xi32, #tpu.memory_space<vmem>> -> memref<32xi32, #tpu.memory_space<vmem>>
    %dma_wait3A_172 = arith.constant 0 : i32
    %dma_wait3A_173 = arith.constant 0 : i32
    %dma_wait3A_174 = tpu.memref_slice %arg3[%dma_wait3A_172, %dma_wait3A_173] : memref<30522x1024xf32, #tpu.memory_space<hbm>> -> memref<30522x1024xf32, #tpu.memory_space<hbm>>
    %dma_wait3A_175 = tpu.memref_slice %arg7[%dma_wait3A_165] : memref<3x!tpu.dma_semaphore, #tpu.memory_space<semaphore_mem>> -> memref<1x!tpu.dma_semaphore, #tpu.memory_space<semaphore_mem>>
    %dma_wait3A_176 = tpu.memref_squeeze %dma_wait3A_175 : memref<1x!tpu.dma_semaphore, #tpu.memory_space<semaphore_mem>> -> memref<!tpu.dma_semaphore, #tpu.memory_space<semaphore_mem>>
    tpu.wait_indirect_dma semaphore(%dma_wait3A_176 : memref<!tpu.dma_semaphore, #tpu.memory_space<semaphore_mem>>) src(%dma_wait3A_174 : memref<30522x1024xf32, #tpu.memory_space<hbm>>) dst(%dma_wait3A_169 : memref<32x1024xf32, #tpu.memory_space<vmem>>)
    %add3A_177 = arith.constant 96 : i32
    %add3A_178 = arith.addi %mul3A_4, %add3A_177 : i32
    %dma_start3A_179 = arith.constant 0 : i32
    %dma_start3A_180 = arith.constant 0 : i32
    %dma_start3A_181 = arith.constant 0 : i32
    %dma_start3A_182 = arith.constant 0 : i32
    %dma_start3A_183 = tpu.memref_slice %arg6[%dma_start3A_179, %dma_start3A_181, %dma_start3A_182] : memref<3x32x1024xf32, #tpu.memory_space<vmem>> -> memref<1x32x1024xf32, #tpu.memory_space<vmem>>
    %dma_start3A_184 = tpu.memref_squeeze %dma_start3A_183 : memref<1x32x1024xf32, #tpu.memory_space<vmem>> -> memref<32x1024xf32, #tpu.memory_space<vmem>>
    %dma_start3A_185 = arith.constant 0 : i32
    %dma_start3A_186 = tpu.memref_slice %arg4[%add3A_178, %dma_start3A_185] : memref<4096x1024xf32, #tpu.memory_space<hbm>> -> memref<32x1024xf32, #tpu.memory_space<hbm>>
    %dma_start3A_187 = tpu.memref_slice %arg8[%dma_start3A_180] : memref<3x!tpu.dma_semaphore, #tpu.memory_space<semaphore_mem>> -> memref<1x!tpu.dma_semaphore, #tpu.memory_space<semaphore_mem>>
    %dma_start3A_188 = tpu.memref_squeeze %dma_start3A_187 : memref<1x!tpu.dma_semaphore, #tpu.memory_space<semaphore_mem>> -> memref<!tpu.dma_semaphore, #tpu.memory_space<semaphore_mem>>
    %dma_start3A_189 = arith.constant 0 : i32
    %dma_start3A_190 = tpu.memref_slice %arg4[%add3A_178, %dma_start3A_189] : memref<4096x1024xf32, #tpu.memory_space<hbm>> -> memref<32x1024xf32, #tpu.memory_space<hbm>>
    %dma_start3A_191 = arith.constant 0 : i32
    %dma_start3A_192 = arith.constant 0 : i32
    %dma_start3A_193 = tpu.memref_slice %arg6[%dma_start3A_179, %dma_start3A_191, %dma_start3A_192] : memref<3x32x1024xf32, #tpu.memory_space<vmem>> -> memref<1x32x1024xf32, #tpu.memory_space<vmem>>
    %dma_start3A_194 = tpu.memref_squeeze %dma_start3A_193 : memref<1x32x1024xf32, #tpu.memory_space<vmem>> -> memref<32x1024xf32, #tpu.memory_space<vmem>>
    tpu.enqueue_dma source(%dma_start3A_194 : memref<32x1024xf32, #tpu.memory_space<vmem>>) target(%dma_start3A_190 : memref<32x1024xf32, #tpu.memory_space<hbm>>) target_semaphore(%dma_start3A_188 : memref<!tpu.dma_semaphore, #tpu.memory_space<semaphore_mem>>)
    %dma_wait3A_195 = arith.constant 0 : i32
    %dma_wait3A_196 = arith.constant 0 : i32
    %dma_wait3A_197 = arith.constant 0 : i32
    %dma_wait3A_198 = arith.constant 0 : i32
    %dma_wait3A_199 = tpu.memref_slice %arg6[%dma_wait3A_195, %dma_wait3A_197, %dma_wait3A_198] : memref<3x32x1024xf32, #tpu.memory_space<vmem>> -> memref<1x32x1024xf32, #tpu.memory_space<vmem>>
    %dma_wait3A_200 = tpu.memref_squeeze %dma_wait3A_199 : memref<1x32x1024xf32, #tpu.memory_space<vmem>> -> memref<32x1024xf32, #tpu.memory_space<vmem>>
    %dma_wait3A_201 = arith.constant 0 : i32
    %dma_wait3A_202 = tpu.memref_slice %arg4[%add3A_178, %dma_wait3A_201] : memref<4096x1024xf32, #tpu.memory_space<hbm>> -> memref<32x1024xf32, #tpu.memory_space<hbm>>
    %dma_wait3A_203 = tpu.memref_slice %arg8[%dma_wait3A_196] : memref<3x!tpu.dma_semaphore, #tpu.memory_space<semaphore_mem>> -> memref<1x!tpu.dma_semaphore, #tpu.memory_space<semaphore_mem>>
    %dma_wait3A_204 = tpu.memref_squeeze %dma_wait3A_203 : memref<1x!tpu.dma_semaphore, #tpu.memory_space<semaphore_mem>> -> memref<!tpu.dma_semaphore, #tpu.memory_space<semaphore_mem>>
    %dma_wait3A_205 = arith.constant 0 : i32
    %dma_wait3A_206 = tpu.memref_slice %arg4[%add3A_178, %dma_wait3A_205] : memref<4096x1024xf32, #tpu.memory_space<hbm>> -> memref<32x1024xf32, #tpu.memory_space<hbm>>
    %dma_wait3A_207 = arith.constant 0 : i32
    %dma_wait3A_208 = arith.constant 0 : i32
    %dma_wait3A_209 = tpu.memref_slice %arg6[%dma_wait3A_195, %dma_wait3A_207, %dma_wait3A_208] : memref<3x32x1024xf32, #tpu.memory_space<vmem>> -> memref<1x32x1024xf32, #tpu.memory_space<vmem>>
    %dma_wait3A_210 = tpu.memref_squeeze %dma_wait3A_209 : memref<1x32x1024xf32, #tpu.memory_space<vmem>> -> memref<32x1024xf32, #tpu.memory_space<vmem>>
    tpu.wait_dma2 semaphore(%dma_wait3A_204 : memref<!tpu.dma_semaphore, #tpu.memory_space<semaphore_mem>>) src(%dma_wait3A_210 : memref<32x1024xf32, #tpu.memory_space<vmem>>) dst(%dma_wait3A_206 : memref<32x1024xf32, #tpu.memory_space<hbm>>)
    %dma_wait3A_211 = arith.constant 1 : i32
    %dma_wait3A_212 = arith.constant 1 : i32
    %dma_wait3A_213 = arith.constant 0 : i32
    %dma_wait3A_214 = arith.constant 0 : i32
    %dma_wait3A_215 = tpu.memref_slice %arg6[%dma_wait3A_211, %dma_wait3A_213, %dma_wait3A_214] : memref<3x32x1024xf32, #tpu.memory_space<vmem>> -> memref<1x32x1024xf32, #tpu.memory_space<vmem>>
    %dma_wait3A_216 = tpu.memref_squeeze %dma_wait3A_215 : memref<1x32x1024xf32, #tpu.memory_space<vmem>> -> memref<32x1024xf32, #tpu.memory_space<vmem>>
    %dma_wait3A_217 = arith.constant 0 : i32
    %dma_wait3A_218 = tpu.memref_slice %arg4[%add3A_116, %dma_wait3A_217] : memref<4096x1024xf32, #tpu.memory_space<hbm>> -> memref<32x1024xf32, #tpu.memory_space<hbm>>
    %dma_wait3A_219 = tpu.memref_slice %arg8[%dma_wait3A_212] : memref<3x!tpu.dma_semaphore, #tpu.memory_space<semaphore_mem>> -> memref<1x!tpu.dma_semaphore, #tpu.memory_space<semaphore_mem>>
    %dma_wait3A_220 = tpu.memref_squeeze %dma_wait3A_219 : memref<1x!tpu.dma_semaphore, #tpu.memory_space<semaphore_mem>> -> memref<!tpu.dma_semaphore, #tpu.memory_space<semaphore_mem>>
    %dma_wait3A_221 = arith.constant 0 : i32
    %dma_wait3A_222 = tpu.memref_slice %arg4[%add3A_116, %dma_wait3A_221] : memref<4096x1024xf32, #tpu.memory_space<hbm>> -> memref<32x1024xf32, #tpu.memory_space<hbm>>
    %dma_wait3A_223 = arith.constant 0 : i32
    %dma_wait3A_224 = arith.constant 0 : i32
    %dma_wait3A_225 = tpu.memref_slice %arg6[%dma_wait3A_211, %dma_wait3A_223, %dma_wait3A_224] : memref<3x32x1024xf32, #tpu.memory_space<vmem>> -> memref<1x32x1024xf32, #tpu.memory_space<vmem>>
    %dma_wait3A_226 = tpu.memref_squeeze %dma_wait3A_225 : memref<1x32x1024xf32, #tpu.memory_space<vmem>> -> memref<32x1024xf32, #tpu.memory_space<vmem>>
    tpu.wait_dma2 semaphore(%dma_wait3A_220 : memref<!tpu.dma_semaphore, #tpu.memory_space<semaphore_mem>>) src(%dma_wait3A_226 : memref<32x1024xf32, #tpu.memory_space<vmem>>) dst(%dma_wait3A_222 : memref<32x1024xf32, #tpu.memory_space<hbm>>)
    %dma_wait3A_227 = arith.constant 2 : i32
    %dma_wait3A_228 = arith.constant 2 : i32
    %dma_wait3A_229 = arith.constant 0 : i32
    %dma_wait3A_230 = arith.constant 0 : i32
    %dma_wait3A_231 = tpu.memref_slice %arg6[%dma_wait3A_227, %dma_wait3A_229, %dma_wait3A_230] : memref<3x32x1024xf32, #tpu.memory_space<vmem>> -> memref<1x32x1024xf32, #tpu.memory_space<vmem>>
    %dma_wait3A_232 = tpu.memref_squeeze %dma_wait3A_231 : memref<1x32x1024xf32, #tpu.memory_space<vmem>> -> memref<32x1024xf32, #tpu.memory_space<vmem>>
    %dma_wait3A_233 = arith.constant 0 : i32
    %dma_wait3A_234 = tpu.memref_slice %arg4[%add3A_147, %dma_wait3A_233] : memref<4096x1024xf32, #tpu.memory_space<hbm>> -> memref<32x1024xf32, #tpu.memory_space<hbm>>
    %dma_wait3A_235 = tpu.memref_slice %arg8[%dma_wait3A_228] : memref<3x!tpu.dma_semaphore, #tpu.memory_space<semaphore_mem>> -> memref<1x!tpu.dma_semaphore, #tpu.memory_space<semaphore_mem>>
    %dma_wait3A_236 = tpu.memref_squeeze %dma_wait3A_235 : memref<1x!tpu.dma_semaphore, #tpu.memory_space<semaphore_mem>> -> memref<!tpu.dma_semaphore, #tpu.memory_space<semaphore_mem>>
    %dma_wait3A_237 = arith.constant 0 : i32
    %dma_wait3A_238 = tpu.memref_slice %arg4[%add3A_147, %dma_wait3A_237] : memref<4096x1024xf32, #tpu.memory_space<hbm>> -> memref<32x1024xf32, #tpu.memory_space<hbm>>
    %dma_wait3A_239 = arith.constant 0 : i32
    %dma_wait3A_240 = arith.constant 0 : i32
    %dma_wait3A_241 = tpu.memref_slice %arg6[%dma_wait3A_227, %dma_wait3A_239, %dma_wait3A_240] : memref<3x32x1024xf32, #tpu.memory_space<vmem>> -> memref<1x32x1024xf32, #tpu.memory_space<vmem>>
    %dma_wait3A_242 = tpu.memref_squeeze %dma_wait3A_241 : memref<1x32x1024xf32, #tpu.memory_space<vmem>> -> memref<32x1024xf32, #tpu.memory_space<vmem>>
    tpu.wait_dma2 semaphore(%dma_wait3A_236 : memref<!tpu.dma_semaphore, #tpu.memory_space<semaphore_mem>>) src(%dma_wait3A_242 : memref<32x1024xf32, #tpu.memory_space<vmem>>) dst(%dma_wait3A_238 : memref<32x1024xf32, #tpu.memory_space<hbm>>)
    return
  }
}

module attributes {stable_mosaic.version = 14 : i64} {
  func.func @_ln_body(%arg0: i32, %arg1: i32, %arg2: memref<1024x1024xf32, #tpu.memory_space<vmem>>, %arg3: memref<1024x1024xf32, #tpu.memory_space<vmem>>, %arg4: memref<1x1x1024xi32, #tpu.memory_space<vmem>>, %arg5: memref<2x1024xf32, #tpu.memory_space<vmem>>, %arg6: memref<1x1024xf32, #tpu.memory_space<vmem>>, %arg7: memref<1x1024xf32, #tpu.memory_space<vmem>>, %arg8: memref<1024x1024xf32, #tpu.memory_space<vmem>>) attributes {dimension_semantics = [#tpu.dimension_semantics<arbitrary>, #tpu.dimension_semantics<arbitrary>], iteration_bounds = array<i64: 1, 4>, scalar_prefetch = 0 : i64, scratch_operands = 0 : i64, tpu.core_type = #tpu.core_type<tc>, window_params = [{transform_indices = @transform_0, window_bounds = array<i64: 1024, 1024>}, {transform_indices = @transform_1, window_bounds = array<i64: 1024, 1024>}, {transform_indices = @transform_2, window_bounds = array<i64: 1, 1, 1024>}, {pipeline_mode = #tpu.pipeline_mode<synchronous>, transform_indices = @transform_3, window_bounds = array<i64: 2, 1024>}, {pipeline_mode = #tpu.pipeline_mode<synchronous>, transform_indices = @transform_4, window_bounds = array<i64: 1, 1024>}, {pipeline_mode = #tpu.pipeline_mode<synchronous>, transform_indices = @transform_5, window_bounds = array<i64: 1, 1024>}, {transform_indices = @transform_6, window_bounds = array<i64: 1024, 1024>}]} {
    %get3A = arith.constant 0 : index
    %get3A_0 = arith.constant 0 : index
    %get3A_1 = vector.load %arg2[%get3A, %get3A_0] : memref<1024x1024xf32, #tpu.memory_space<vmem>>, vector<1024x1024xf32>
    %get3A_2 = arith.constant 0 : index
    %get3A_3 = arith.constant 0 : index
    %get3A_4 = arith.constant 0 : index
    %get3A_5 = vector.load %arg4[%get3A_2, %get3A_3, %get3A_4] : memref<1x1x1024xi32, #tpu.memory_space<vmem>>, vector<1x1x1024xi32>
    %get3A_6 = vector.shape_cast %get3A_5 : vector<1x1x1024xi32> to vector<1024xi32>
    %convert_element_type3A = arith.sitofp %get3A_6 : vector<1024xi32> to vector<1024xf32>
    %broadcast_in_dim3A = vector.shape_cast %convert_element_type3A : vector<1024xf32> to vector<1024x1xf32>
    %get3A_7 = arith.constant 0 : index
    %get3A_8 = arith.constant 0 : index
    %get3A_9 = vector.load %arg5[%get3A_7, %get3A_8] : memref<2x1024xf32, #tpu.memory_space<vmem>>, vector<1x1024xf32>
    %get3A_10 = vector.shape_cast %get3A_9 : vector<1x1024xf32> to vector<1024xf32>
    %broadcast_in_dim3A_11 = vector.shape_cast %get3A_10 : vector<1024xf32> to vector<1x1024xf32>
    %get3A_12 = arith.constant 1 : index
    %get3A_13 = arith.constant 0 : index
    %get3A_14 = vector.load %arg5[%get3A_12, %get3A_13] : memref<2x1024xf32, #tpu.memory_space<vmem>>, vector<1x1024xf32>
    %get3A_15 = vector.shape_cast %get3A_14 : vector<1x1024xf32> to vector<1024xf32>
    %broadcast_in_dim3A_16 = vector.shape_cast %get3A_15 : vector<1024xf32> to vector<1x1024xf32>
    %get3A_17 = arith.constant 0 : index
    %get3A_18 = arith.constant 0 : index
    %get3A_19 = vector.load %arg3[%get3A_17, %get3A_18] : memref<1024x1024xf32, #tpu.memory_space<vmem>>, vector<1024x1024xf32>
    %add3A = arith.addf %get3A_1, %get3A_19 : vector<1024x1024xf32>
    %add3A_20 = vector.broadcast %broadcast_in_dim3A_11 : vector<1x1024xf32> to vector<1024x1024xf32>
    %add3A_21 = arith.addf %add3A, %add3A_20 : vector<1024x1024xf32>
    %sub3A = arith.subf %broadcast_in_dim3A_16, %broadcast_in_dim3A_11 : vector<1x1024xf32>
    %mul3A = vector.broadcast %broadcast_in_dim3A : vector<1024x1xf32> to vector<1024x1024xf32>
    %mul3A_22 = vector.broadcast %sub3A : vector<1x1024xf32> to vector<1024x1024xf32>
    %mul3A_23 = arith.mulf %mul3A, %mul3A_22 : vector<1024x1024xf32>
    %add3A_24 = arith.addf %add3A_21, %mul3A_23 : vector<1024x1024xf32>
    %reduce_sum3A = arith.constant dense<0.000000e+00> : vector<1024xf32>
    %reduce_sum3A_25 = vector.multi_reduction <add>, %add3A_24, %reduce_sum3A [1] : vector<1024x1024xf32> to vector<1024xf32>
    %broadcast_in_dim3A_26 = vector.shape_cast %reduce_sum3A_25 : vector<1024xf32> to vector<1024x1xf32>
    %div3A = arith.constant 1.024000e+03 : f32
    %div3A_27 = vector.broadcast %div3A : f32 to vector<1024x1xf32>
    %div3A_28 = arith.divf %broadcast_in_dim3A_26, %div3A_27 : vector<1024x1xf32>
    %sub3A_29 = vector.broadcast %div3A_28 : vector<1024x1xf32> to vector<1024x1024xf32>
    %sub3A_30 = arith.subf %add3A_24, %sub3A_29 : vector<1024x1024xf32>
    %mul3A_31 = arith.mulf %sub3A_30, %sub3A_30 : vector<1024x1024xf32>
    %reduce_sum3A_32 = arith.constant dense<0.000000e+00> : vector<1024xf32>
    %reduce_sum3A_33 = vector.multi_reduction <add>, %mul3A_31, %reduce_sum3A_32 [1] : vector<1024x1024xf32> to vector<1024xf32>
    %broadcast_in_dim3A_34 = vector.shape_cast %reduce_sum3A_33 : vector<1024xf32> to vector<1024x1xf32>
    %div3A_35 = arith.constant 1.024000e+03 : f32
    %div3A_36 = vector.broadcast %div3A_35 : f32 to vector<1024x1xf32>
    %div3A_37 = arith.divf %broadcast_in_dim3A_34, %div3A_36 : vector<1024x1xf32>
    %add3A_38 = arith.constant 9.99999996E-13 : f32
    %add3A_39 = vector.broadcast %add3A_38 : f32 to vector<1024x1xf32>
    %add3A_40 = arith.addf %div3A_37, %add3A_39 : vector<1024x1xf32>
    %rsqrt3A = math.rsqrt %add3A_40 : vector<1024x1xf32>
    %mul3A_41 = vector.broadcast %rsqrt3A : vector<1024x1xf32> to vector<1024x1024xf32>
    %mul3A_42 = arith.mulf %sub3A_30, %mul3A_41 : vector<1024x1024xf32>
    %get3A_43 = arith.constant 0 : index
    %get3A_44 = arith.constant 0 : index
    %get3A_45 = vector.load %arg6[%get3A_43, %get3A_44] : memref<1x1024xf32, #tpu.memory_space<vmem>>, vector<1x1024xf32>
    %mul3A_46 = vector.broadcast %get3A_45 : vector<1x1024xf32> to vector<1024x1024xf32>
    %mul3A_47 = arith.mulf %mul3A_42, %mul3A_46 : vector<1024x1024xf32>
    %get3A_48 = arith.constant 0 : index
    %get3A_49 = arith.constant 0 : index
    %get3A_50 = vector.load %arg7[%get3A_48, %get3A_49] : memref<1x1024xf32, #tpu.memory_space<vmem>>, vector<1x1024xf32>
    %add3A_51 = vector.broadcast %get3A_50 : vector<1x1024xf32> to vector<1024x1024xf32>
    %add3A_52 = arith.addf %mul3A_47, %add3A_51 : vector<1024x1024xf32>
    %swap3A = arith.constant 0 : index
    %swap3A_53 = arith.constant 0 : index
    %swap3A_54 = vector.load %arg8[%swap3A, %swap3A_53] : memref<1024x1024xf32, #tpu.memory_space<vmem>>, vector<1024x1024xf32>
    tpu.vector_store %arg8[%swap3A, %swap3A_53], %add3A_52 {strides = array<i32>} : memref<1024x1024xf32, #tpu.memory_space<vmem>>, vector<1024x1024xf32>,
    return
  }
  func.func @transform_0(%arg0: i32, %arg1: i32) -> (i32, i32) {
    %mul3A = arith.constant 1 : i32
    %mul3A_0 = arith.muli %arg1, %mul3A : i32
    %add3A = arith.addi %mul3A_0, %arg0 : i32
    %c0_i32 = arith.constant 0 : i32
    %c0_i32_1 = arith.constant 0 : i32
    return %add3A, %c0_i32 : i32, i32
  }
  func.func @transform_1(%arg0: i32, %arg1: i32) -> (i32, i32) {
    %add3A = arith.constant 0 : i32
    %add3A_0 = arith.addi %add3A, %arg0 : i32
    %c0_i32 = arith.constant 0 : i32
    %c0_i32_1 = arith.constant 0 : i32
    return %add3A_0, %c0_i32 : i32, i32
  }
  func.func @transform_2(%arg0: i32, %arg1: i32) -> (i32, i32, i32) {
    %mul3A = arith.constant 2 : i32
    %mul3A_0 = arith.muli %arg1, %mul3A : i32
    %add3A = arith.constant 0 : i32
    %add3A_1 = arith.addi %mul3A_0, %add3A : i32
    %add3A_2 = arith.addi %add3A_1, %arg0 : i32
    %c0_i32 = arith.constant 0 : i32
    %c0_i32_3 = arith.constant 0 : i32
    %c0_i32_4 = arith.constant 0 : i32
    return %add3A_2, %c0_i32, %c0_i32_3 : i32, i32, i32
  }
  func.func @transform_3(%arg0: i32, %arg1: i32) -> (i32, i32) {
    %c0_i32 = arith.constant 0 : i32
    %c0_i32_0 = arith.constant 0 : i32
    %c0_i32_1 = arith.constant 0 : i32
    return %c0_i32, %c0_i32_0 : i32, i32
  }
  func.func @transform_4(%arg0: i32, %arg1: i32) -> (i32, i32) {
    %c0_i32 = arith.constant 0 : i32
    %c0_i32_0 = arith.constant 0 : i32
    %c0_i32_1 = arith.constant 0 : i32
    return %c0_i32, %c0_i32_0 : i32, i32
  }
  func.func @transform_5(%arg0: i32, %arg1: i32) -> (i32, i32) {
    %c0_i32 = arith.constant 0 : i32
    %c0_i32_0 = arith.constant 0 : i32
    %c0_i32_1 = arith.constant 0 : i32
    return %c0_i32, %c0_i32_0 : i32, i32
  }
  func.func @transform_6(%arg0: i32, %arg1: i32) -> (i32, i32) {
    %mul3A = arith.constant 2 : i32
    %mul3A_0 = arith.muli %arg1, %mul3A : i32
    %add3A = arith.constant 0 : i32
    %add3A_1 = arith.addi %mul3A_0, %add3A : i32
    %add3A_2 = arith.addi %add3A_1, %arg0 : i32
    %c0_i32 = arith.constant 0 : i32
    %c0_i32_3 = arith.constant 0 : i32
    return %add3A_2, %c0_i32 : i32, i32
  }
}

module attributes {stable_mosaic.version = 14 : i64} {
  func.func @_ln_body_alias(%arg0: i32, %arg1: i32, %arg2: memref<1024x1024xf32, #tpu.memory_space<vmem>>, %arg3: memref<1024x1024xf32, #tpu.memory_space<vmem>>, %arg4: memref<1x1x1024xi32, #tpu.memory_space<vmem>>, %arg5: memref<2x1024xf32, #tpu.memory_space<vmem>>, %arg6: memref<1x1024xf32, #tpu.memory_space<vmem>>, %arg7: memref<1x1024xf32, #tpu.memory_space<vmem>>, %arg8: memref<8192x1024xf32, #tpu.memory_space<any>>, %arg9: memref<1024x1024xf32, #tpu.memory_space<vmem>>) attributes {dimension_semantics = [#tpu.dimension_semantics<arbitrary>, #tpu.dimension_semantics<arbitrary>], iteration_bounds = array<i64: 1, 4>, scalar_prefetch = 0 : i64, scratch_operands = 0 : i64, tpu.core_type = #tpu.core_type<tc>, window_params = [{transform_indices = @transform_0, window_bounds = array<i64: 1024, 1024>}, {transform_indices = @transform_1, window_bounds = array<i64: 1024, 1024>}, {transform_indices = @transform_2, window_bounds = array<i64: 1, 1, 1024>}, {pipeline_mode = #tpu.pipeline_mode<synchronous>, transform_indices = @transform_3, window_bounds = array<i64: 2, 1024>}, {pipeline_mode = #tpu.pipeline_mode<synchronous>, transform_indices = @transform_4, window_bounds = array<i64: 1, 1024>}, {pipeline_mode = #tpu.pipeline_mode<synchronous>, transform_indices = @transform_5, window_bounds = array<i64: 1, 1024>}, {}, {transform_indices = @transform_7, window_bounds = array<i64: 1024, 1024>}]} {
    %get3A = arith.constant 0 : index
    %get3A_0 = arith.constant 0 : index
    %get3A_1 = vector.load %arg2[%get3A, %get3A_0] : memref<1024x1024xf32, #tpu.memory_space<vmem>>, vector<1024x1024xf32>
    %get3A_2 = arith.constant 0 : index
    %get3A_3 = arith.constant 0 : index
    %get3A_4 = arith.constant 0 : index
    %get3A_5 = vector.load %arg4[%get3A_2, %get3A_3, %get3A_4] : memref<1x1x1024xi32, #tpu.memory_space<vmem>>, vector<1x1x1024xi32>
    %get3A_6 = vector.shape_cast %get3A_5 : vector<1x1x1024xi32> to vector<1024xi32>
    %convert_element_type3A = arith.sitofp %get3A_6 : vector<1024xi32> to vector<1024xf32>
    %broadcast_in_dim3A = vector.shape_cast %convert_element_type3A : vector<1024xf32> to vector<1024x1xf32>
    %get3A_7 = arith.constant 0 : index
    %get3A_8 = arith.constant 0 : index
    %get3A_9 = vector.load %arg5[%get3A_7, %get3A_8] : memref<2x1024xf32, #tpu.memory_space<vmem>>, vector<1x1024xf32>
    %get3A_10 = vector.shape_cast %get3A_9 : vector<1x1024xf32> to vector<1024xf32>
    %broadcast_in_dim3A_11 = vector.shape_cast %get3A_10 : vector<1024xf32> to vector<1x1024xf32>
    %get3A_12 = arith.constant 1 : index
    %get3A_13 = arith.constant 0 : index
    %get3A_14 = vector.load %arg5[%get3A_12, %get3A_13] : memref<2x1024xf32, #tpu.memory_space<vmem>>, vector<1x1024xf32>
    %get3A_15 = vector.shape_cast %get3A_14 : vector<1x1024xf32> to vector<1024xf32>
    %broadcast_in_dim3A_16 = vector.shape_cast %get3A_15 : vector<1024xf32> to vector<1x1024xf32>
    %get3A_17 = arith.constant 0 : index
    %get3A_18 = arith.constant 0 : index
    %get3A_19 = vector.load %arg3[%get3A_17, %get3A_18] : memref<1024x1024xf32, #tpu.memory_space<vmem>>, vector<1024x1024xf32>
    %add3A = arith.addf %get3A_1, %get3A_19 : vector<1024x1024xf32>
    %add3A_20 = vector.broadcast %broadcast_in_dim3A_11 : vector<1x1024xf32> to vector<1024x1024xf32>
    %add3A_21 = arith.addf %add3A, %add3A_20 : vector<1024x1024xf32>
    %sub3A = arith.subf %broadcast_in_dim3A_16, %broadcast_in_dim3A_11 : vector<1x1024xf32>
    %mul3A = vector.broadcast %broadcast_in_dim3A : vector<1024x1xf32> to vector<1024x1024xf32>
    %mul3A_22 = vector.broadcast %sub3A : vector<1x1024xf32> to vector<1024x1024xf32>
    %mul3A_23 = arith.mulf %mul3A, %mul3A_22 : vector<1024x1024xf32>
    %add3A_24 = arith.addf %add3A_21, %mul3A_23 : vector<1024x1024xf32>
    %reduce_sum3A = arith.constant dense<0.000000e+00> : vector<1024xf32>
    %reduce_sum3A_25 = vector.multi_reduction <add>, %add3A_24, %reduce_sum3A [1] : vector<1024x1024xf32> to vector<1024xf32>
    %broadcast_in_dim3A_26 = vector.shape_cast %reduce_sum3A_25 : vector<1024xf32> to vector<1024x1xf32>
    %div3A = arith.constant 1.024000e+03 : f32
    %div3A_27 = vector.broadcast %div3A : f32 to vector<1024x1xf32>
    %div3A_28 = arith.divf %broadcast_in_dim3A_26, %div3A_27 : vector<1024x1xf32>
    %sub3A_29 = vector.broadcast %div3A_28 : vector<1024x1xf32> to vector<1024x1024xf32>
    %sub3A_30 = arith.subf %add3A_24, %sub3A_29 : vector<1024x1024xf32>
    %mul3A_31 = arith.mulf %sub3A_30, %sub3A_30 : vector<1024x1024xf32>
    %reduce_sum3A_32 = arith.constant dense<0.000000e+00> : vector<1024xf32>
    %reduce_sum3A_33 = vector.multi_reduction <add>, %mul3A_31, %reduce_sum3A_32 [1] : vector<1024x1024xf32> to vector<1024xf32>
    %broadcast_in_dim3A_34 = vector.shape_cast %reduce_sum3A_33 : vector<1024xf32> to vector<1024x1xf32>
    %div3A_35 = arith.constant 1.024000e+03 : f32
    %div3A_36 = vector.broadcast %div3A_35 : f32 to vector<1024x1xf32>
    %div3A_37 = arith.divf %broadcast_in_dim3A_34, %div3A_36 : vector<1024x1xf32>
    %add3A_38 = arith.constant 9.99999996E-13 : f32
    %add3A_39 = vector.broadcast %add3A_38 : f32 to vector<1024x1xf32>
    %add3A_40 = arith.addf %div3A_37, %add3A_39 : vector<1024x1xf32>
    %rsqrt3A = math.rsqrt %add3A_40 : vector<1024x1xf32>
    %mul3A_41 = vector.broadcast %rsqrt3A : vector<1024x1xf32> to vector<1024x1024xf32>
    %mul3A_42 = arith.mulf %sub3A_30, %mul3A_41 : vector<1024x1024xf32>
    %get3A_43 = arith.constant 0 : index
    %get3A_44 = arith.constant 0 : index
    %get3A_45 = vector.load %arg6[%get3A_43, %get3A_44] : memref<1x1024xf32, #tpu.memory_space<vmem>>, vector<1x1024xf32>
    %mul3A_46 = vector.broadcast %get3A_45 : vector<1x1024xf32> to vector<1024x1024xf32>
    %mul3A_47 = arith.mulf %mul3A_42, %mul3A_46 : vector<1024x1024xf32>
    %get3A_48 = arith.constant 0 : index
    %get3A_49 = arith.constant 0 : index
    %get3A_50 = vector.load %arg7[%get3A_48, %get3A_49] : memref<1x1024xf32, #tpu.memory_space<vmem>>, vector<1x1024xf32>
    %add3A_51 = vector.broadcast %get3A_50 : vector<1x1024xf32> to vector<1024x1024xf32>
    %add3A_52 = arith.addf %mul3A_47, %add3A_51 : vector<1024x1024xf32>
    %swap3A = arith.constant 0 : index
    %swap3A_53 = arith.constant 0 : index
    %swap3A_54 = vector.load %arg9[%swap3A, %swap3A_53] : memref<1024x1024xf32, #tpu.memory_space<vmem>>, vector<1024x1024xf32>
    tpu.vector_store %arg9[%swap3A, %swap3A_53], %add3A_52 {strides = array<i32>} : memref<1024x1024xf32, #tpu.memory_space<vmem>>, vector<1024x1024xf32>,
    return
  }
  func.func @transform_0(%arg0: i32, %arg1: i32) -> (i32, i32) {
    %mul3A = arith.constant 1 : i32
    %mul3A_0 = arith.muli %arg1, %mul3A : i32
    %add3A = arith.addi %mul3A_0, %arg0 : i32
    %c0_i32 = arith.constant 0 : i32
    %c0_i32_1 = arith.constant 0 : i32
    return %add3A, %c0_i32 : i32, i32
  }
  func.func @transform_1(%arg0: i32, %arg1: i32) -> (i32, i32) {
    %add3A = arith.constant 1 : i32
    %add3A_0 = arith.addi %add3A, %arg0 : i32
    %c0_i32 = arith.constant 0 : i32
    %c0_i32_1 = arith.constant 0 : i32
    return %add3A_0, %c0_i32 : i32, i32
  }
  func.func @transform_2(%arg0: i32, %arg1: i32) -> (i32, i32, i32) {
    %mul3A = arith.constant 2 : i32
    %mul3A_0 = arith.muli %arg1, %mul3A : i32
    %add3A = arith.constant 1 : i32
    %add3A_1 = arith.addi %mul3A_0, %add3A : i32
    %add3A_2 = arith.addi %add3A_1, %arg0 : i32
    %c0_i32 = arith.constant 0 : i32
    %c0_i32_3 = arith.constant 0 : i32
    %c0_i32_4 = arith.constant 0 : i32
    return %add3A_2, %c0_i32, %c0_i32_3 : i32, i32, i32
  }
  func.func @transform_3(%arg0: i32, %arg1: i32) -> (i32, i32) {
    %c0_i32 = arith.constant 0 : i32
    %c0_i32_0 = arith.constant 0 : i32
    %c0_i32_1 = arith.constant 0 : i32
    return %c0_i32, %c0_i32_0 : i32, i32
  }
  func.func @transform_4(%arg0: i32, %arg1: i32) -> (i32, i32) {
    %c0_i32 = arith.constant 0 : i32
    %c0_i32_0 = arith.constant 0 : i32
    %c0_i32_1 = arith.constant 0 : i32
    return %c0_i32, %c0_i32_0 : i32, i32
  }
  func.func @transform_5(%arg0: i32, %arg1: i32) -> (i32, i32) {
    %c0_i32 = arith.constant 0 : i32
    %c0_i32_0 = arith.constant 0 : i32
    %c0_i32_1 = arith.constant 0 : i32
    return %c0_i32, %c0_i32_0 : i32, i32
  }
  func.func @transform_7(%arg0: i32, %arg1: i32) -> (i32, i32) {
    %mul3A = arith.constant 2 : i32
    %mul3A_0 = arith.muli %arg1, %mul3A : i32
    %add3A = arith.constant 1 : i32
    %add3A_1 = arith.addi %mul3A_0, %add3A : i32
    %add3A_2 = arith.addi %add3A_1, %arg0 : i32
    %c0_i32 = arith.constant 0 : i32
    %c0_i32_3 = arith.constant 0 : i32
    return %add3A_2, %c0_i32 : i32, i32
  }
}

</mosaic_0001>

<sc_bundles>
// kernel: kernel.6.cloned.1.call-start
scs
__scs_entry_jumppad:
0x0: {  	(pc) =	sbr.rel $0x88, $3  }
0x1: {  	(tag) =	ssettag $0x0;
	lr =	simm.s32 $0x1  }
0x2: {  	[smem:$0x3F9A] =	sst lr;
	_ =	strace $0xD0000000  }
0x3: {  	_ = 	snop  }
0x4: {  	_ = 	snop  }
0x5: {  	_ = 	snop  }
0x6: {  	_ = 	snop  }
0x7: {  	_ = 	snop  }
__scs_overlays_trampoline_lowered:
0x8: {  	[smem:$0x3FA9] =	sst s0  }
0x9: {  	[smem:$0x3FAA] =	sst s1  }
0xa: {  	[smem:$0x3FAB] =	sst s2  }
0xb: {  	[smem:$0x3FAC] =	sst s3  }
0xc: {  	[smem:$0x3FAD] =	sst s4  }
0xd: {  	[smem:$0x3FAE] =	sst s5  }
0xe: {  	[smem:$0x3FAF] =	sst s6  }
0xf: {  	[smem:$0x3FB0] =	sst s7  }
0x10: {  	[smem:$0x3FB1] =	sst s8  }
0x11: {  	[smem:$0x3FB2] =	sst s9;
	s0 =	simm.s32 @!p0 $0x0  }
0x12: {  	s1 =	sld [smem:$0x3F98];
	s0 =	simm.s32 @p0 $0x1  }
0x13: {  	[smem:$0x3FB3] =	sst s0;
	s0 =	simm.s32 @!p1 $0x0  }
0x14: {  	s2 =	sld [smem:$0x3F97];
	s0 =	simm.s32 @p1 $0x1  }
0x15: {  	[smem:$0x3FB4] =	sst s0;
	s0 =	simm.s32 @!p2 $0x0  }
0x16: {  	s3 =	sld [smem:$0x3FDB];
	s0 =	simm.s32 @p2 $0x1  }
0x17: {  	s4 =	simm.s32 $0x1BF5;
	[smem:$0x3FB6] =	sst s0  }
0x18: {  	s0 =	sld [smem:$0x3F99];
	_ =	swait.ge [sflag:s4], $0x0  }
0x19: {  	s7 =	sld [smem:$0x3F9A]  }
0x1a: {  	s8 =	sadd.s32 $0xFFFFE003, lr  }
0x1b: {  	s9 =	sadd.s32 $0xFFFFFEF7, lr;
	s5 =	simm.s32 $0xFFFFFFFF;
	p2 =	slt.u32 s8, $0xFFFFF086  }
0x1c: {  	p1 =	slt.u32 s9, $0xF7A;
	s5 =	simm.s32 @!p2 $0x0  }
0x1d: {  	s5 =	simm.s32 @p1 $0x1;
	p0 =	seq.s32 s7, s2  }
0x1e: {  	s7 =	smul.u32 @!p0 $0xF7A, s2;
	p2 =	seq.s32 @!p0 s5, $0x0  }
0x1f: {  	s9 =	smul.u32 $0xF7A, s1;
	s8 =	simm.s32 @!p0 $0x1BF5;
	p2 =	por !p2, p0  }
0x20: {  	[sflag:s8] =	ssyncset.s32 @!p0 $0xFFFFF086;
	s6 =	sadd.s32 @!p0 s3, s7;
	s7 =	simm.s32 @!p0 $0x108  }
0x21: {  	s3 =	sadd.s32 s3, s9;
	s6 =	sadd.s32 @!p0 $0x88, s6;
	s7 =	simm.s32 @p2 $0x1082  }
0x22: {  	[simem:s7], [sflag:s8] =	dma.local @!p0 [hbm:s6], $0xF7A  }
0x23: {  	s9 =	sor.u32 $0xD0000000, s2;
	s6 =	simm.s32 $0x108;
	_ =	swait.ge @!p0 [sflag:s8], $0x0  }
0x24: {  	s3 =	sadd.s32 $0x88, s3;
	s6 =	simm.s32 @!p1 $0x1082;
	[sflag:s4] =	ssyncset.s32 $0xFFFFF086  }
0x25: {  	[simem:s6], [sflag:s4] =	dma.local [hbm:s3], $0xF7A  }
0x26: {  	[smem:$0x3F9A] =	sst s1;
	(tag) =	ssettag s2;
	_ =	strace s9  }
0x27: {  	s1 =	sld [smem:$0x3FAA]  }
0x28: {  	s2 =	sld [smem:$0x3FAB]  }
0x29: {  	s4 =	sld [smem:$0x3FAD]  }
0x2a: {  	p0 =	seq.s32 s5, $0x0;
	s5 =	sld [smem:$0x3FAE]  }
0x2b: {  	s6 =	sld [smem:$0x3FAF]  }
0x2c: {  	s7 =	sld [smem:$0x3FB0]  }
0x2d: {  	s3 =	simm.s32 $0x108;
	s8 =	sld [smem:$0x3FB1]  }
0x2e: {  	s3 =	simm.s32 @!p0 $0x1082;
	s9 =	sld [smem:$0x3FB2]  }
0x2f: {  	lr =	sadd.s32 s0, s3;
	s0 =	sld [smem:$0x3FA9]  }
0x30: {  	s3 =	sld [smem:$0x3FAC]  }
0x31: {  	[smem:$0x3FB5] =	sst s10  }
0x32: {  	s10 =	sld [smem:$0x3FB3];
	_ =	sdelay $0x3  }
0x33: {  	p0 =	seq.s32 s10, $0x1;
	s10 =	sld [smem:$0x3FB5];
	_ =	sdelay $0x3  }
0x34: {  	[smem:$0x3FB5] =	sst s10  }
0x35: {  	s10 =	sld [smem:$0x3FB4];
	_ =	sdelay $0x3  }
0x36: {  	p1 =	seq.s32 s10, $0x1;
	s10 =	sld [smem:$0x3FB5];
	_ =	sdelay $0x3  }
0x37: {  	[smem:$0x3FB5] =	sst s10  }
0x38: {  	s10 =	sld [smem:$0x3FB6]  }
0x39: {  	_ = 	snop;
	(pc) =	sbr.ind lr, $3  }
0x3a: {  	_ = 	snop  }
0x3b: {  	_ = 	snop  }
0x3c: {  	p2 =	seq.s32 s10, $0x1;
	s10 =	sld [smem:$0x3FB5]  }
0x3d: {  	_ =	shalt  }
0x3e: {  	_ =	shalt  }
0x3f: {  	_ =	shalt  }
0x40: {  	_ =	shalt  }
0x41: {  	_ =	shalt  }
0x42: {  	_ =	shalt  }
0x43: {  	_ =	shalt  }
0x44: {  	_ =	shalt  }
0x45: {  	_ =	shalt  }
0x46: {  	_ =	shalt  }
0x47: {  	_ =	shalt  }
0x48: {  	_ =	shalt  }
0x49: {  	_ =	shalt  }
0x4a: {  	_ =	shalt  }
0x4b: {  	_ =	shalt  }
0x4c: {  	_ =	shalt  }
0x4d: {  	_ =	shalt  }
0x4e: {  	_ =	shalt  }
0x4f: {  	_ =	shalt  }
0x50: {  	_ =	shalt  }
0x51: {  	_ =	shalt  }
0x52: {  	_ =	shalt  }
0x53: {  	_ =	shalt  }
0x54: {  	_ =	shalt  }
0x55: {  	_ =	shalt  }
0x56: {  	_ =	shalt  }
0x57: {  	_ =	shalt  }
0x58: {  	_ =	shalt  }
0x59: {  	_ =	shalt  }
0x5a: {  	_ =	shalt  }
0x5b: {  	_ =	shalt  }
0x5c: {  	_ =	shalt  }
0x5d: {  	_ =	shalt  }
0x5e: {  	_ =	shalt  }
0x5f: {  	_ =	shalt  }
0x60: {  	_ =	shalt  }
0x61: {  	_ =	shalt  }
0x62: {  	_ =	shalt  }
0x63: {  	_ =	shalt  }
0x64: {  	_ =	shalt  }
0x65: {  	_ =	shalt  }
0x66: {  	_ =	shalt  }
0x67: {  	_ =	shalt  }
0x68: {  	_ =	shalt  }
0x69: {  	_ =	shalt  }
0x6a: {  	_ =	shalt  }
0x6b: {  	_ =	shalt  }
0x6c: {  	_ =	shalt  }
0x6d: {  	_ =	shalt  }
0x6e: {  	_ =	shalt  }
0x6f: {  	_ =	shalt  }
0x70: {  	_ =	shalt  }
0x71: {  	_ =	shalt  }
0x72: {  	_ =	shalt  }
0x73: {  	_ =	shalt  }
0x74: {  	_ =	shalt  }
0x75: {  	_ =	shalt  }
0x76: {  	_ =	shalt  }
0x77: {  	_ =	shalt  }
0x78: {  	_ =	shalt  }
0x79: {  	_ =	shalt  }
0x7a: {  	_ =	shalt  }
0x7b: {  	_ =	shalt  }
0x7c: {  	_ =	shalt  }
0x7d: {  	_ =	shalt  }
0x7e: {  	_ =	shalt  }
0x7f: {  	_ =	shalt  }
0x80: {  	_ =	shalt  }
0x81: {  	_ =	shalt  }
0x82: {  	_ =	shalt  }
0x83: {  	_ =	shalt  }
0x84: {  	_ =	shalt  }
0x85: {  	_ =	shalt  }
0x86: {  	_ =	shalt  }
0x87: {  	_ =	shalt  }
.Lfunc_end0:
.L_simem_size_0:
called_computation_lowered:
.L_overlay_start_0:
0x88: {  	s2 =	sld [smem:$0x3FD9]  }
0x89: {  	s3 =	sld [smem:$0x3FFE];
	_ =	sdelay $0x1  }
0x8a: {  	s1 =	srdreg.scid  }
0x8b: {  	s0 =	sand.u32 $0x1, s1  }
0x8c: {  	s17 =	sshll.u32 s0, $0xA;
	s2 =	sadd.s32 s3, s2  }
0x8d: {  	s2 =	sadd.s32 s2, s17  }
0x8e: {  	[smem:$0x3FC1] =	sst s2  }
0x8f: {  	_ = 	snop  }
0x90: {  	s2 =	sld [smem:$0x3FC7]  }
0x91: {  	s18 =	sld [smem:$0x3FD0];
	(tm) =	ssettm $0x1  }
0x92: {  	s4 =	sld [smem:$0x3FFB];
	_ =	sdelay $0x3  }
0x93: {  	_ =	strace s4  }
0x94: {  	s4 =	sld [smem:$0x3FFC];
	_ =	sdelay $0x3  }
0x95: {  	_ =	strace s4  }
0x96: {  	s4 =	sld [smem:$0x3FFD];
	_ =	sdelay $0x3  }
0x97: {  	_ =	strace s4  }
0x98: {  	_ =	strace $0x8FFFFFFF  }
0x99: {  	s19 =	sld [smem:$0x3FDB];
	_ =	sdelay $0x1  }
0x9a: {  	s5 =	simm.s32 $_scs_section_size  }
0x9b: {  	s6 =	simm.s32 $_size__tile_overlayer_lowered;
	s7 =	simm.s32 $_tile_overlayer_lowered  }
0x9c: {  	s22 =	simm.s32 $0x1BFF;
	s21 =	sshll.u32 s7, $0x1;
	s4 =	sadd.s32 s5, s19  }
0x9d: {  	s8 =	simm.s32 $0x0;
	s20 =	sshll.u32 s6, $0x1;
	s6 =	sadd.s32 s21, s4  }
0x9e: {  	[timem:s8], [sflag:s22] =	dma.local [hbm:s6], s20  }
0x9f: {  	_ =	swait.ge [sflag:s22], s20  }
0xa0: {  	s5 =	ssub.s32 $0x0, s20;
	[sflag:s22] =	ssyncset.done $0x0  }
0xa1: {  	[sflag:s22] =	ssyncadd.s32 s5;
	_ =	sdelay $0x1  }
0xa2: {  	s23 =	simm.s32 $0x1B8B  }
0xa3: {  	_ =	swait.ge [sflag:s23], $0x1  }
0xa4: {  	[sflag:s23] =	ssyncset.done $0x0  }
0xa5: {  	s25 =	simm.s32 $0x1B8E;
	s24 =	sld [smem:$0x3FFE];
	[sflag:s23] =	ssyncadd.s32 $0xFFFFFFFF  }
0xa6: {  	s26 =	simm.s32 $execute0_lowered;
	[smem:$0x3FD2] =	sst s25  }
0xa7: {  	s6 =	sshll.u32 s26, $0x1;
	_ =	strace $0x80000046;
	[dreg:$0x1] =	wrdreg $0xFFFFFFFF  }
0xa8: {  	s28 =	simm.s32 $_size_execute0_lowered;
	s4 =	sadd.s32 s4, s6;
	[dreg:$0x0] =	wrdreg $0x0  }
0xa9: {  	s6 =	sshll.u32 s28, $0x1;
	[dreg:$0x2] =	wrdreg s4  }
0xaa: {  	[dreg:$0x3] =	wrdreg s6  }
0xab: {  	[dreg:$0x4] =	wrdreg $0xC0  }
0xac: {  	_ =	task [dreg:s8], $0x5FFFF  }
0xad: {  	[dreg:$0x1] =	wrdreg $0xFFFFFFFF  }
0xae: {  	[dreg:$0x0] =	wrdreg $0x60  }
0xaf: {  	[dreg:$0x2] =	wrdreg s18  }
0xb0: {  	[dreg:$0x3] =	wrdreg s2  }
0xb1: {  	[dreg:$0x4] =	wrdreg s24  }
0xb2: {  	[dreg:$0x5] =	wrdreg $0x9  }
0xb3: {  	_ =	task.clear_ibuf [dreg:s8], $0x6FFFF;
	_ =	strace $0x90000046  }
0xb4: {  	s29 =	simm.s32 $0x9;
	_ =	strace $0x80000048  }
0xb5: {  	_ =	swait.ge [sflag:s29], $0x1  }
0xb6: {  	[sflag:s29] =	ssyncadd.s32 $0xFFFFFFFF  }
0xb7: {  	_ =	strace $0x90000048  }
0xb8: {  	_ =	sfence  }
0xb9: {  	s30 =	sld [smem:$0x0];
	_ =	sdelay $0x2  }
0xba: {  	s31 =	sshll.u32 s1, $0xD;
	s1 =	sshrl.u32 s1, $0x2  }
0xbb: {  	s3 =	sand.u32 $0x4000, s31;
	s1 =	sadd.s32 s1, s30  }
0xbc: {  	s0 =	sor.u32 s3, s0;
	s1 =	sshll.u32 s1, $0x11  }
0xbd: {  	s0 =	sor.u32 s1, s0  }
0xbe: {  	s0 =	sadd.s32 $0x8F2B, s0  }
0xbf: {  	[sflag:s0] =	ssyncadd.remote.s32 $0x1  }
0xc0: {  	_ =	sfence.sel $0xFFFF  }
0xc1: {  	[dreg:$0x0] =	wrdreg $0xFFFFFFFF;
	(pc) =	sbr.abs _section_cstart, $3  }
0xc2: {  	[dreg:$0x1] =	wrdreg $0xFFFFFFFF  }
0xc3: {  	_ =	task.clear_ibuf [dreg:s8], $0x2FFFF;
	_ =	strace $0x9FFFFFFF  }
0xc4: {  	(tm) =	ssettm $0x7FFFFFFF  }
0xc5: {  	_ =	shalt  }
tec
execute0_lowered:
.L_overlay_start_1:
0x0: {  	(tag) =	ssettag $0x1  }
0x1: {  	s0 =	rddreg [dreg:$0x0]  }
0x2: {  	s2 =	rddreg [dreg:$0x1];
	s3 =	stileid.u32  }
0x3: {  	s4 =	rddreg [dreg:$0x2];
	s5 =	sshll.u32 s3, $0x8;
	s3 =	simm.s32 $0x0  }
0x4: {  	s18 =	simm.s32 $0x8880;
	[smem:$0x7FF] =	sst s3  }
0x5: {  	s19 =	simm.s32 $0x9080;
	_ =	strace $0x80000047;
	[dreg:$0x9] =	wrdreg s18  }
0x6: {  	s20 =	simm.s32 $0x9880;
	[dreg:$0xa] =	wrdreg s19  }
0x7: {  	s21 =	simm.s32 $0xA080;
	[dreg:$0xb] =	wrdreg s20  }
0x8: {  	s22 =	simm.s32 $0xA880;
	[dreg:$0xc] =	wrdreg s21  }
0x9: {  	s23 =	simm.s32 $0xB080;
	[dreg:$0xd] =	wrdreg s22  }
0xa: {  	s24 =	simm.s32 $0xB880;
	[dreg:$0xe] =	wrdreg s23  }
0xb: {  	s1 =	srdreg.scid;
	s26 =	simm.s32 $0xC080;
	[dreg:$0xf] =	wrdreg s24  }
0xc: {  	s7 =	simm.s32 $0xD880;
	s8 =	simm.s32 $0xE080;
	[dreg:$0x10] =	wrdreg s26  }
0xd: {  	s9 =	simm.s32 $0xE880;
	s10 =	simm.s32 $0xF080;
	[dreg:$0x13] =	wrdreg s7  }
0xe: {  	s11 =	simm.s32 $0xF880;
	s12 =	simm.s32 $0x10880;
	[dreg:$0x14] =	wrdreg s8  }
0xf: {  	s13 =	simm.s32 $0x11080;
	s30 =	simm.s32 $0x4;
	[dreg:$0x15] =	wrdreg s9  }
0x10: {  	s31 =	simm.s32 $0x3;
	s28 =	simm.s32 $0x7880;
	[dreg:$0x16] =	wrdreg s10  }
0x11: {  	s29 =	simm.s32 $0x10080;
	s1 =	sand.u32 $0x1, s1;
	[dreg:$0x17] =	wrdreg s11  }
0x12: {  	s6 =	sshll.u32 s1, $0x7;
	s1 =	ssub.s32 $0x2, s1;
	[dreg:$0x18] =	wrdreg s12  }
0x13: {  	s5 =	sor.u32 s6, s5;
	[dreg:$0x19] =	wrdreg s13;
	s18 =	simm.s32 $0x13880  }
0x14: {  	s25 =	sshrl.u32 s1, $0x1;
	s19 =	simm.s32 $0x14080;
	[dreg:$0x1e] =	wrdreg s18  }
0x15: {  	s9 =	simm.s32 $0x80;
	s20 =	simm.s32 $0x14880;
	[dreg:$0x1f] =	wrdreg s19  }
0x16: {  	s21 =	simm.s32 $0x15080;
	s22 =	simm.s32 $0x15880;
	[smem:$0x7F7] =	sst s20  }
0x17: {  	s23 =	simm.s32 $0x16080;
	s24 =	simm.s32 $0x16880;
	[smem:$0x7F8] =	sst s21  }
0x18: {  	s26 =	simm.s32 $0x17880;
	s12 =	simm.s32 $0x880;
	[smem:$0x7F9] =	sst s22  }
0x19: {  	s13 =	simm.s32 $0x1080;
	s6 =	sshll.u32 s5, $0x7;
	[smem:$0x7FA] =	sst s23  }
0x1a: {  	s5 =	sshrl.u32 s5, $0x3;
	s1 =	ssub.s32 s1, s25;
	[smem:$0x7FB] =	sst s24  }
0x1b: {  	s25 =	simm.s32 $0x17080;
	[smem:$0x7FD] =	sst s26;
	s26 =	simm.s32 $0x1  }
0x1c: {  	s18 =	simm.s32 $0x3880;
	s19 =	simm.s32 $0x4080;
	s20 =	simm.s32 $0x4880  }
0x1d: {  	s21 =	simm.s32 $0x5080;
	s0 =	sadd.s32 s0, s5;
	[smem:$0x7FC] =	sst s25  }
0x1e: {  	s22 =	simm.s32 $0x5880;
	s5 =	simm.s32 $0xC880;
	[dreg:$0x4] =	wrdreg s0  }
0x1f: {  	s4 =	sadd.s32 s6, s4;
	s6 =	simm.s32 $0xD080;
	[dreg:$0x11] =	wrdreg s5  }
0x20: {  	s23 =	simm.s32 $0x6080;
	s14 =	sadd.s32 $0x1600, s4;
	[dreg:$0x12] =	wrdreg s6  }
0x21: {  	s24 =	simm.s32 $0x6880;
	s15 =	sadd.s32 $0x2600, s4;
	[dreg:$0x5] =	wrdreg s14  }
0x22: {  	s7 =	smax.u32 s1, $0x1;
	s16 =	sadd.s32 $0x3600, s4;
	[dreg:$0x6] =	wrdreg s15  }
0x23: {  	s1 =	simm.s32 $0x5;
	s17 =	sadd.s32 $0x4600, s4;
	[dreg:$0x7] =	wrdreg s16  }
0x24: {  	s25 =	simm.s32 $0x7080;
	[dreg:$0x8] =	wrdreg s17;
	s14 =	simm.s32 $0x11880  }
0x25: {  	s4 =	sadd.s32 $0x100, s2;
	s15 =	simm.s32 $0x12080;
	[dreg:$0x1a] =	wrdreg s14  }
0x26: {  	s5 =	sadd.s32 $0x200, s2;
	s16 =	simm.s32 $0x12880;
	[dreg:$0x1b] =	wrdreg s15  }
0x27: {  	v2 =	vlaneseq.u32;
	s6 =	sadd.s32 $0x300, s2;
	s17 =	simm.s32 $0x13080;
	[dreg:$0x1c] =	wrdreg s16  }
0x28: {  	vm0 =	vmmov $0xffff;
	v1 =	vshrl.u32 v2, $0x3;
	s0 =	simm.s32 $0x6;
	[dreg:$0x1d] =	wrdreg s17;
	s14 =	simm.s32 $0x1880  }
0x29: {  	v0 =	vand.u32 $0x7, v2;
	v2 =	vor.u32 $0x8, v2;
	v1 =	vmul.u32 $0x8, v1;
	s15 =	simm.s32 $0x2080;
	s16 =	simm.s32 $0x2880;
	s17 =	simm.s32 $0x3080  }
.LBB2_1:
0x2a: {  	s10 =	rddreg [dreg:$0x4];
	s8 =	simm.s32 $0x7  }
0x2b: {  	[tilespmem:s3], [sflag:$0x7] =	stream.linear.gather [hbm4b:s10+s3], $0x80, $0x38;
	[tilespmem:$0x18080] =	vst v63  }
0x2c: {  	_ =	swait.ge [sflag:s8], $0x80  }
0x2d: {  	[sflag:s8] =	ssyncset.done $0x0  }
0x2e: {  	[sflag:s8] =	ssyncadd.s32 $0xFFFFFF80  }
0x2f: {  	v3 =	vld [tilespmem:$0x0];
	_ =	sdelay $0x4  }
0x30: {  	v4 =	vshll.u32 v3, $0x3  }
0x31: {  	v3 =	vand.u32 $0x7, v3;
	v4 =	vand.u32 $0xFFFFFFC0, v4  }
0x32: {  	v3 =	vor.u32 v3, v4  }
0x33: {  	v4 =	vperm.xlane v3, v0;
	_ =	sdelay $0x1  }
0x34: {  	v4 =	vadd.s32 v1, v4;
	_ =	sdelay $0x4  }
0x35: {  	[tilespmem:s9], [sflag:$0x1] =	stream.indirect_vreg.gather [hbm4b:s2+s3], $0x80, v4, vm0, $0xb8;
	[tilespmem:$0x18080] =	vst v63  }
0x36: {  	v3 =	vperm.xlane v3, v2  }
0x37: {  	[tilespmem:s12], [sflag:$0x1] =	stream.indirect_vreg.gather [hbm4b:s4+s3], $0x80, v4, vm0, $0xb8;
	[tilespmem:$0x18080] =	vst v63  }
0x38: {  	v3 =	vadd.s32 v1, v3  }
0x39: {  	[tilespmem:s13], [sflag:$0x1] =	stream.indirect_vreg.gather [hbm4b:s5+s3], $0x80, v4, vm0, $0xb8;
	[tilespmem:$0x18080] =	vst v63  }
0x3a: {  	_ = 	snop  }
0x3b: {  	[tilespmem:s14], [sflag:$0x1] =	stream.indirect_vreg.gather [hbm4b:s6+s3], $0x80, v4, vm0, $0xb8;
	[tilespmem:$0x18080] =	vst v63  }
0x3c: {  	_ = 	snop  }
0x3d: {  	[tilespmem:s15], [sflag:$0x1] =	stream.indirect_vreg.gather [hbm4b:s2+s3], $0x80, v3, vm0, $0xb8;
	[tilespmem:$0x18080] =	vst v63  }
0x3e: {  	_ = 	snop  }
0x3f: {  	[tilespmem:s16], [sflag:$0x1] =	stream.indirect_vreg.gather [hbm4b:s4+s3], $0x80, v3, vm0, $0xb8;
	[tilespmem:$0x18080] =	vst v63  }
0x40: {  	_ = 	snop  }
0x41: {  	[tilespmem:s17], [sflag:$0x1] =	stream.indirect_vreg.gather [hbm4b:s5+s3], $0x80, v3, vm0, $0xb8;
	[tilespmem:$0x18080] =	vst v63  }
0x42: {  	_ = 	snop  }
0x43: {  	[tilespmem:s18], [sflag:$0x1] =	stream.indirect_vreg.gather [hbm4b:s6+s3], $0x80, v3, vm0, $0xb8;
	[tilespmem:$0x18080] =	vst v63  }
0x44: {  	v3 =	vld [tilespmem:$0x10];
	_ =	sdelay $0x4  }
0x45: {  	v57 =	vshll.u32 v3, $0x3  }
0x46: {  	v3 =	vand.u32 $0x7, v3;
	v4 =	vand.u32 $0xFFFFFFC0, v57  }
0x47: {  	v3 =	vor.u32 v3, v4  }
0x48: {  	v4 =	vperm.xlane v3, v0;
	_ =	sdelay $0x1  }
0x49: {  	v4 =	vadd.s32 v1, v4;
	_ =	sdelay $0x4  }
0x4a: {  	[tilespmem:s19], [sflag:$0x1] =	stream.indirect_vreg.gather [hbm4b:s2+s3], $0x80, v4, vm0, $0xb8;
	[tilespmem:$0x18080] =	vst v63  }
0x4b: {  	v3 =	vperm.xlane v3, v2  }
0x4c: {  	[tilespmem:s20], [sflag:$0x1] =	stream.indirect_vreg.gather [hbm4b:s4+s3], $0x80, v4, vm0, $0xb8;
	[tilespmem:$0x18080] =	vst v63  }
0x4d: {  	v3 =	vadd.s32 v1, v3  }
0x4e: {  	[tilespmem:s21], [sflag:$0x1] =	stream.indirect_vreg.gather [hbm4b:s5+s3], $0x80, v4, vm0, $0xb8;
	[tilespmem:$0x18080] =	vst v63  }
0x4f: {  	_ = 	snop  }
0x50: {  	[tilespmem:s22], [sflag:$0x1] =	stream.indirect_vreg.gather [hbm4b:s6+s3], $0x80, v4, vm0, $0xb8;
	[tilespmem:$0x18080] =	vst v63  }
0x51: {  	_ = 	snop  }
0x52: {  	[tilespmem:s23], [sflag:$0x1] =	stream.indirect_vreg.gather [hbm4b:s2+s3], $0x80, v3, vm0, $0xb8;
	[tilespmem:$0x18080] =	vst v63  }
0x53: {  	_ = 	snop  }
0x54: {  	[tilespmem:s24], [sflag:$0x1] =	stream.indirect_vreg.gather [hbm4b:s4+s3], $0x80, v3, vm0, $0xb8;
	[tilespmem:$0x18080] =	vst v63  }
0x55: {  	_ = 	snop  }
0x56: {  	[tilespmem:s25], [sflag:$0x1] =	stream.indirect_vreg.gather [hbm4b:s5+s3], $0x80, v3, vm0, $0xb8;
	[tilespmem:$0x18080] =	vst v63  }
0x57: {  	_ = 	snop  }
0x58: {  	[tilespmem:s28], [sflag:$0x1] =	stream.indirect_vreg.gather [hbm4b:s6+s3], $0x80, v3, vm0, $0xb8;
	[tilespmem:$0x18080] =	vst v63  }
0x59: {  	v3 =	vld [tilespmem:$0x20];
	_ =	sdelay $0x4  }
0x5a: {  	v58 =	vshll.u32 v3, $0x3  }
0x5b: {  	v3 =	vand.u32 $0x7, v3;
	v4 =	vand.u32 $0xFFFFFFC0, v58  }
0x5c: {  	v3 =	vor.u32 v3, v4  }
0x5d: {  	v4 =	vperm.xlane v3, v0;
	_ =	sdelay $0x1  }
0x5e: {  	v4 =	vadd.s32 v1, v4;
	_ =	sdelay $0x3  }
0x5f: {  	s8 =	simm.s32 $0x8080  }
0x60: {  	[tilespmem:s8], [sflag:$0x2] =	stream.indirect_vreg.gather [hbm4b:s2+s3], $0x80, v4, vm0, $0xb8;
	[tilespmem:$0x18080] =	vst v63  }
0x61: {  	s10 =	rddreg [dreg:$0x9];
	v3 =	vperm.xlane v3, v2  }
0x62: {  	[tilespmem:s10], [sflag:$0x2] =	stream.indirect_vreg.gather [hbm4b:s4+s3], $0x80, v4, vm0, $0xb8;
	[tilespmem:$0x18080] =	vst v63  }
0x63: {  	s11 =	rddreg [dreg:$0xa];
	v3 =	vadd.s32 v1, v3  }
0x64: {  	[tilespmem:s11], [sflag:$0x2] =	stream.indirect_vreg.gather [hbm4b:s5+s3], $0x80, v4, vm0, $0xb8;
	[tilespmem:$0x18080] =	vst v63  }
0x65: {  	s10 =	rddreg [dreg:$0xb]  }
0x66: {  	[tilespmem:s10], [sflag:$0x2] =	stream.indirect_vreg.gather [hbm4b:s6+s3], $0x80, v4, vm0, $0xb8;
	[tilespmem:$0x18080] =	vst v63  }
0x67: {  	s11 =	rddreg [dreg:$0xc]  }
0x68: {  	[tilespmem:s11], [sflag:$0x2] =	stream.indirect_vreg.gather [hbm4b:s2+s3], $0x80, v3, vm0, $0xb8;
	[tilespmem:$0x18080] =	vst v63  }
0x69: {  	s10 =	rddreg [dreg:$0xd]  }
0x6a: {  	[tilespmem:s10], [sflag:$0x2] =	stream.indirect_vreg.gather [hbm4b:s4+s3], $0x80, v3, vm0, $0xb8;
	[tilespmem:$0x18080] =	vst v63  }
0x6b: {  	s11 =	rddreg [dreg:$0xe]  }
0x6c: {  	[tilespmem:s11], [sflag:$0x2] =	stream.indirect_vreg.gather [hbm4b:s5+s3], $0x80, v3, vm0, $0xb8;
	[tilespmem:$0x18080] =	vst v63  }
0x6d: {  	s10 =	rddreg [dreg:$0xf]  }
0x6e: {  	[tilespmem:s10], [sflag:$0x2] =	stream.indirect_vreg.gather [hbm4b:s6+s3], $0x80, v3, vm0, $0xb8;
	[tilespmem:$0x18080] =	vst v63  }
0x6f: {  	v3 =	vld [tilespmem:$0x30];
	_ =	sdelay $0x4  }
0x70: {  	v59 =	vshll.u32 v3, $0x3  }
0x71: {  	v3 =	vand.u32 $0x7, v3;
	v4 =	vand.u32 $0xFFFFFFC0, v59  }
0x72: {  	v3 =	vor.u32 v3, v4  }
0x73: {  	v4 =	vperm.xlane v3, v0;
	_ =	sdelay $0x1  }
0x74: {  	v4 =	vadd.s32 v1, v4;
	_ =	sdelay $0x3  }
0x75: {  	s10 =	rddreg [dreg:$0x10]  }
0x76: {  	[tilespmem:s10], [sflag:$0x2] =	stream.indirect_vreg.gather [hbm4b:s2+s3], $0x80, v4, vm0, $0xb8;
	[tilespmem:$0x18080] =	vst v63  }
0x77: {  	s11 =	rddreg [dreg:$0x11];
	v3 =	vperm.xlane v3, v2  }
0x78: {  	[tilespmem:s11], [sflag:$0x2] =	stream.indirect_vreg.gather [hbm4b:s4+s3], $0x80, v4, vm0, $0xb8;
	[tilespmem:$0x18080] =	vst v63  }
0x79: {  	v3 =	vadd.s32 v1, v3;
	s10 =	rddreg [dreg:$0x12]  }
0x7a: {  	[tilespmem:s10], [sflag:$0x2] =	stream.indirect_vreg.gather [hbm4b:s5+s3], $0x80, v4, vm0, $0xb8;
	[tilespmem:$0x18080] =	vst v63  }
0x7b: {  	s11 =	rddreg [dreg:$0x13]  }
0x7c: {  	[tilespmem:s11], [sflag:$0x2] =	stream.indirect_vreg.gather [hbm4b:s6+s3], $0x80, v4, vm0, $0xb8;
	[tilespmem:$0x18080] =	vst v63  }
0x7d: {  	s10 =	rddreg [dreg:$0x14]  }
0x7e: {  	[tilespmem:s10], [sflag:$0x2] =	stream.indirect_vreg.gather [hbm4b:s2+s3], $0x80, v3, vm0, $0xb8;
	[tilespmem:$0x18080] =	vst v63  }
0x7f: {  	s11 =	rddreg [dreg:$0x15]  }
0x80: {  	[tilespmem:s11], [sflag:$0x2] =	stream.indirect_vreg.gather [hbm4b:s4+s3], $0x80, v3, vm0, $0xb8;
	[tilespmem:$0x18080] =	vst v63  }
0x81: {  	s10 =	rddreg [dreg:$0x16]  }
0x82: {  	[tilespmem:s10], [sflag:$0x2] =	stream.indirect_vreg.gather [hbm4b:s5+s3], $0x80, v3, vm0, $0xb8;
	[tilespmem:$0x18080] =	vst v63  }
0x83: {  	s11 =	rddreg [dreg:$0x17]  }
0x84: {  	[tilespmem:s11], [sflag:$0x2] =	stream.indirect_vreg.gather [hbm4b:s6+s3], $0x80, v3, vm0, $0xb8;
	[tilespmem:$0x18080] =	vst v63  }
0x85: {  	_ =	swait.ge [sflag:s26], $0x8000  }
0x86: {  	[sflag:s26] =	ssyncset.done $0x0  }
0x87: {  	[sflag:s26] =	ssyncadd.s32 $0xFFFF8000  }
0x88: {  	v3 =	vld [tilespmem:$0x40];
	_ =	sdelay $0x4  }
0x89: {  	v60 =	vshll.u32 v3, $0x3  }
0x8a: {  	v3 =	vand.u32 $0x7, v3;
	v4 =	vand.u32 $0xFFFFFFC0, v60  }
0x8b: {  	v3 =	vor.u32 v3, v4  }
0x8c: {  	v4 =	vperm.xlane v3, v0;
	_ =	sdelay $0x1  }
0x8d: {  	v4 =	vadd.s32 v1, v4;
	_ =	sdelay $0x4  }
0x8e: {  	[tilespmem:s29], [sflag:$0x3] =	stream.indirect_vreg.gather [hbm4b:s2+s3], $0x80, v4, vm0, $0xb8;
	[tilespmem:$0x18080] =	vst v63  }
0x8f: {  	s10 =	rddreg [dreg:$0x18];
	v3 =	vperm.xlane v3, v2  }
0x90: {  	[tilespmem:s10], [sflag:$0x3] =	stream.indirect_vreg.gather [hbm4b:s4+s3], $0x80, v4, vm0, $0xb8;
	[tilespmem:$0x18080] =	vst v63  }
0x91: {  	s11 =	rddreg [dreg:$0x19];
	v3 =	vadd.s32 v1, v3  }
0x92: {  	[tilespmem:s11], [sflag:$0x3] =	stream.indirect_vreg.gather [hbm4b:s5+s3], $0x80, v4, vm0, $0xb8;
	[tilespmem:$0x18080] =	vst v63  }
0x93: {  	s10 =	rddreg [dreg:$0x1a]  }
0x94: {  	[tilespmem:s10], [sflag:$0x3] =	stream.indirect_vreg.gather [hbm4b:s6+s3], $0x80, v4, vm0, $0xb8;
	[tilespmem:$0x18080] =	vst v63  }
0x95: {  	s11 =	rddreg [dreg:$0x1b]  }
0x96: {  	[tilespmem:s11], [sflag:$0x3] =	stream.indirect_vreg.gather [hbm4b:s2+s3], $0x80, v3, vm0, $0xb8;
	[tilespmem:$0x18080] =	vst v63  }
0x97: {  	s10 =	rddreg [dreg:$0x1c]  }
0x98: {  	[tilespmem:s10], [sflag:$0x3] =	stream.indirect_vreg.gather [hbm4b:s4+s3], $0x80, v3, vm0, $0xb8;
	[tilespmem:$0x18080] =	vst v63  }
0x99: {  	s11 =	rddreg [dreg:$0x1d]  }
0x9a: {  	[tilespmem:s11], [sflag:$0x3] =	stream.indirect_vreg.gather [hbm4b:s5+s3], $0x80, v3, vm0, $0xb8;
	[tilespmem:$0x18080] =	vst v63  }
0x9b: {  	s10 =	rddreg [dreg:$0x1e]  }
0x9c: {  	[tilespmem:s10], [sflag:$0x3] =	stream.indirect_vreg.gather [hbm4b:s6+s3], $0x80, v3, vm0, $0xb8;
	[tilespmem:$0x18080] =	vst v63  }
0x9d: {  	v3 =	vld [tilespmem:$0x50];
	_ =	sdelay $0x4  }
0x9e: {  	v61 =	vshll.u32 v3, $0x3  }
0x9f: {  	v3 =	vand.u32 $0x7, v3;
	v4 =	vand.u32 $0xFFFFFFC0, v61  }
0xa0: {  	v3 =	vor.u32 v3, v4  }
0xa1: {  	v4 =	vperm.xlane v3, v0;
	_ =	sdelay $0x1  }
0xa2: {  	v4 =	vadd.s32 v1, v4;
	_ =	sdelay $0x2  }
0xa3: {  	s11 =	sld [smem:$0x7F7]  }
0xa4: {  	s10 =	rddreg [dreg:$0x1f]  }
0xa5: {  	[tilespmem:s10], [sflag:$0x3] =	stream.indirect_vreg.gather [hbm4b:s2+s3], $0x80, v4, vm0, $0xb8;
	[tilespmem:$0x18080] =	vst v63  }
0xa6: {  	v3 =	vperm.xlane v3, v2;
	s10 =	sld [smem:$0x7F8]  }
0xa7: {  	[tilespmem:s11], [sflag:$0x3] =	stream.indirect_vreg.gather [hbm4b:s4+s3], $0x80, v4, vm0, $0xb8;
	[tilespmem:$0x18080] =	vst v63  }
0xa8: {  	v3 =	vadd.s32 v1, v3;
	s11 =	sld [smem:$0x7F9]  }
0xa9: {  	[tilespmem:s10], [sflag:$0x3] =	stream.indirect_vreg.gather [hbm4b:s5+s3], $0x80, v4, vm0, $0xb8;
	[tilespmem:$0x18080] =	vst v63  }
0xaa: {  	s10 =	sld [smem:$0x7FA]  }
0xab: {  	[tilespmem:s11], [sflag:$0x3] =	stream.indirect_vreg.gather [hbm4b:s6+s3], $0x80, v4, vm0, $0xb8;
	[tilespmem:$0x18080] =	vst v63  }
0xac: {  	s11 =	sld [smem:$0x7FB]  }
0xad: {  	[tilespmem:s10], [sflag:$0x3] =	stream.indirect_vreg.gather [hbm4b:s2+s3], $0x80, v3, vm0, $0xb8;
	[tilespmem:$0x18080] =	vst v63  }
0xae: {  	s10 =	sld [smem:$0x7FC]  }
0xaf: {  	[tilespmem:s11], [sflag:$0x3] =	stream.indirect_vreg.gather [hbm4b:s4+s3], $0x80, v3, vm0, $0xb8;
	[tilespmem:$0x18080] =	vst v63  }
0xb0: {  	s11 =	sld [smem:$0x7FD]  }
0xb1: {  	[tilespmem:s10], [sflag:$0x3] =	stream.indirect_vreg.gather [hbm4b:s5+s3], $0x80, v3, vm0, $0xb8;
	[tilespmem:$0x18080] =	vst v63  }
0xb2: {  	_ = 	snop  }
0xb3: {  	[tilespmem:s11], [sflag:$0x3] =	stream.indirect_vreg.gather [hbm4b:s6+s3], $0x80, v3, vm0, $0xb8;
	[tilespmem:$0x18080] =	vst v63  }
0xb4: {  	s10 =	rddreg [dreg:$0x5];
	s11 =	simm.s32 $0x2  }
0xb5: {  	[hbm4b:s10+s3] =	stream.linear.scatter [tilespmem:s9], [sflag:$0x4], $0x8000, $0x38;
	[tilespmem:$0x18080] =	vst v63  }
0xb6: {  	_ =	swait.ge [sflag:s11], $0x8000  }
0xb7: {  	[sflag:s11] =	ssyncset.done $0x0  }
0xb8: {  	[sflag:s11] =	ssyncadd.s32 $0xFFFF8000  }
0xb9: {  	_ =	swait.ge [sflag:s30], $0x8000  }
0xba: {  	[sflag:s30] =	ssyncset.done $0x0  }
0xbb: {  	[sflag:s30] =	ssyncadd.s32 $0xFFFF8000  }
0xbc: {  	v3 =	vld [tilespmem:$0x60];
	_ =	sdelay $0x4  }
0xbd: {  	v62 =	vshll.u32 v3, $0x3  }
0xbe: {  	v3 =	vand.u32 $0x7, v3;
	v4 =	vand.u32 $0xFFFFFFC0, v62  }
0xbf: {  	v3 =	vor.u32 v3, v4  }
0xc0: {  	v4 =	vperm.xlane v3, v0;
	_ =	sdelay $0x1  }
0xc1: {  	v4 =	vadd.s32 v1, v4;
	_ =	sdelay $0x4  }
0xc2: {  	[tilespmem:s9], [sflag:$0x1] =	stream.indirect_vreg.gather [hbm4b:s2+s3], $0x80, v4, vm0, $0xb8;
	[tilespmem:$0x18080] =	vst v63  }
0xc3: {  	v3 =	vperm.xlane v3, v2  }
0xc4: {  	[tilespmem:s12], [sflag:$0x1] =	stream.indirect_vreg.gather [hbm4b:s4+s3], $0x80, v4, vm0, $0xb8;
	[tilespmem:$0x18080] =	vst v63  }
0xc5: {  	v3 =	vadd.s32 v1, v3  }
0xc6: {  	[tilespmem:s13], [sflag:$0x1] =	stream.indirect_vreg.gather [hbm4b:s5+s3], $0x80, v4, vm0, $0xb8;
	[tilespmem:$0x18080] =	vst v63  }
0xc7: {  	_ = 	snop  }
0xc8: {  	[tilespmem:s14], [sflag:$0x1] =	stream.indirect_vreg.gather [hbm4b:s6+s3], $0x80, v4, vm0, $0xb8;
	[tilespmem:$0x18080] =	vst v63  }
0xc9: {  	_ = 	snop  }
0xca: {  	[tilespmem:s15], [sflag:$0x1] =	stream.indirect_vreg.gather [hbm4b:s2+s3], $0x80, v3, vm0, $0xb8;
	[tilespmem:$0x18080] =	vst v63  }
0xcb: {  	_ = 	snop  }
0xcc: {  	[tilespmem:s16], [sflag:$0x1] =	stream.indirect_vreg.gather [hbm4b:s4+s3], $0x80, v3, vm0, $0xb8;
	[tilespmem:$0x18080] =	vst v63  }
0xcd: {  	_ = 	snop  }
0xce: {  	[tilespmem:s17], [sflag:$0x1] =	stream.indirect_vreg.gather [hbm4b:s5+s3], $0x80, v3, vm0, $0xb8;
	[tilespmem:$0x18080] =	vst v63  }
0xcf: {  	_ = 	snop  }
0xd0: {  	[tilespmem:s18], [sflag:$0x1] =	stream.indirect_vreg.gather [hbm4b:s6+s3], $0x80, v3, vm0, $0xb8;
	[tilespmem:$0x18080] =	vst v63  }
0xd1: {  	v3 =	vld [tilespmem:$0x70];
	_ =	sdelay $0x4  }
0xd2: {  	v63 =	vshll.u32 v3, $0x3  }
0xd3: {  	v3 =	vand.u32 $0x7, v3;
	v4 =	vand.u32 $0xFFFFFFC0, v63  }
0xd4: {  	v3 =	vor.u32 v3, v4  }
0xd5: {  	v4 =	vperm.xlane v3, v0;
	_ =	sdelay $0x1  }
0xd6: {  	v4 =	vadd.s32 v1, v4;
	_ =	sdelay $0x4  }
0xd7: {  	[tilespmem:s19], [sflag:$0x1] =	stream.indirect_vreg.gather [hbm4b:s2+s3], $0x80, v4, vm0, $0xb8;
	[tilespmem:$0x18080] =	vst v63  }
0xd8: {  	v3 =	vperm.xlane v3, v2  }
0xd9: {  	[tilespmem:s20], [sflag:$0x1] =	stream.indirect_vreg.gather [hbm4b:s4+s3], $0x80, v4, vm0, $0xb8;
	[tilespmem:$0x18080] =	vst v63  }
0xda: {  	v3 =	vadd.s32 v1, v3  }
0xdb: {  	[tilespmem:s21], [sflag:$0x1] =	stream.indirect_vreg.gather [hbm4b:s5+s3], $0x80, v4, vm0, $0xb8;
	[tilespmem:$0x18080] =	vst v63  }
0xdc: {  	_ = 	snop  }
0xdd: {  	[tilespmem:s22], [sflag:$0x1] =	stream.indirect_vreg.gather [hbm4b:s6+s3], $0x80, v4, vm0, $0xb8;
	[tilespmem:$0x18080] =	vst v63  }
0xde: {  	_ = 	snop  }
0xdf: {  	[tilespmem:s23], [sflag:$0x1] =	stream.indirect_vreg.gather [hbm4b:s2+s3], $0x80, v3, vm0, $0xb8;
	[tilespmem:$0x18080] =	vst v63  }
0xe0: {  	_ = 	snop  }
0xe1: {  	[tilespmem:s24], [sflag:$0x1] =	stream.indirect_vreg.gather [hbm4b:s4+s3], $0x80, v3, vm0, $0xb8;
	[tilespmem:$0x18080] =	vst v63  }
0xe2: {  	_ = 	snop  }
0xe3: {  	[tilespmem:s25], [sflag:$0x1] =	stream.indirect_vreg.gather [hbm4b:s5+s3], $0x80, v3, vm0, $0xb8;
	[tilespmem:$0x18080] =	vst v63  }
0xe4: {  	_ = 	snop  }
0xe5: {  	[tilespmem:s28], [sflag:$0x1] =	stream.indirect_vreg.gather [hbm4b:s6+s3], $0x80, v3, vm0, $0xb8;
	[tilespmem:$0x18080] =	vst v63  }
0xe6: {  	s11 =	rddreg [dreg:$0x6]  }
0xe7: {  	[hbm4b:s11+s3] =	stream.linear.scatter [tilespmem:s8], [sflag:$0x5], $0x8000, $0x38;
	[tilespmem:$0x18080] =	vst v63  }
0xe8: {  	_ =	swait.ge [sflag:s31], $0x8000  }
0xe9: {  	[sflag:s31] =	ssyncset.done $0x0  }
0xea: {  	s8 =	rddreg [dreg:$0x7];
	[sflag:s31] =	ssyncadd.s32 $0xFFFF8000  }
0xeb: {  	[hbm4b:s8+s3] =	stream.linear.scatter [tilespmem:s29], [sflag:$0x6], $0x8000, $0x38;
	[tilespmem:$0x18080] =	vst v63  }
0xec: {  	_ =	swait.ge [sflag:s26], $0x8000  }
0xed: {  	[sflag:s26] =	ssyncset.done $0x0  }
0xee: {  	s11 =	rddreg [dreg:$0x8];
	[sflag:s26] =	ssyncadd.s32 $0xFFFF8000  }
0xef: {  	[hbm4b:s11+s3] =	stream.linear.scatter [tilespmem:s9], [sflag:$0x4], $0x8000, $0x38;
	[tilespmem:$0x18080] =	vst v63  }
0xf0: {  	_ =	swait.ge [sflag:s30], $0x8000  }
0xf1: {  	[sflag:s30] =	ssyncset.done $0x0  }
0xf2: {  	[sflag:s30] =	ssyncadd.s32 $0xFFFF8000  }
0xf3: {  	p0 =	sne.s32 s7, $0x1;
	_ =	swait.ge [sflag:s1], $0x8000  }
.Ltmp0:
0xf4: {  	[sflag:s1] =	ssyncset.done $0x0;
	(pc) =	sbr.rel @p0 .LBB2_1-.Ltmp0, $4  }
0xf5: {  	[sflag:s1] =	ssyncadd.s32 $0xFFFF8000  }
0xf6: {  	_ =	swait.ge [sflag:s0], $0x8000  }
0xf7: {  	[sflag:s0] =	ssyncset.done $0x0  }
0xf8: {  	s7 =	sadd.s32 $0xFFFFFFFF, s7;
	[sflag:s0] =	ssyncadd.s32 $0xFFFF8000  }
0xf9: {  	_ =	sfence.sel $0x180000  }
0xfa: {  	[bflag:$0x0] =	sbarrier.arrive $0xFFFF  }
0xfb: {  	_ =	strace $0x90000047  }
0xfc: {  	s0 =	stileid.u32;
	[bflag:$0x2] =	sbarrier.arrive $0xFFFF  }
0xfd: {  	p0 =	sne.s32 s0, $0x0;
	s0 =	rddreg [dreg:$0x3]  }
0xfe: {  	s0 =	sadd.s32 @!p0 $0x100000, s0  }
0xff: {  	[sflag:s0] =	ssyncadd.tile.s32 @!p0 $0x1;
	_ =	shalt  }
.Lfunc_end2:
_tile_overlayer_lowered:
.L_overlay_start_2:
0x100: {  	(tag) =	ssettag $0x2  }
0x101: {  	s0 =	rddreg [dreg:$0x0];
	s2 =	stileid.u32  }
0x102: {  	s1 =	rddreg [dreg:$0x1];
	p0 =	sne.s32 s2, $0x0  }
0x103: {  	s3 =	rddreg [dreg:$0x2];
	[bflag:$0x3] =	sbarrier.arrive $0xFFFF;
	s2 =	simm.s32 @!p0 $0x1C07  }
0x104: {  	[timem:s3], [sflag:s2] =	dma.local @!p0 [hbm:s0], s1  }
0x105: {  	s0 =	simm.s32 @!p0 $0x7  }
0x106: {  	_ =	swait.ge @!p0 [sflag:s0], s1  }
0x107: {  	s1 =	ssub.s32 @!p0 $0x0, s1;
	[sflag:s0] =	ssyncset.done @!p0 $0x0  }
0x108: {  	[sflag:s0] =	ssyncadd.s32 @!p0 s1  }
0x109: {  	[bflag:$0x3] =	sbarrier.arrive $0xFFFF  }
0x10a: {  	_ =	shalt  }

// kernel: kernel.9.cloned.1.call-start
scs
__scs_entry_jumppad:
0x0: {  	(pc) =	sbr.rel $0x88, $3  }
0x1: {  	(tag) =	ssettag $0x0;
	lr =	simm.s32 $0x1  }
0x2: {  	[smem:$0x3F9A] =	sst lr;
	_ =	strace $0xD0000000  }
0x3: {  	_ = 	snop  }
0x4: {  	_ = 	snop  }
0x5: {  	_ = 	snop  }
0x6: {  	_ = 	snop  }
0x7: {  	_ = 	snop  }
__scs_overlays_trampoline_lowered:
0x8: {  	[smem:$0x3FA9] =	sst s0  }
0x9: {  	[smem:$0x3FAA] =	sst s1  }
0xa: {  	[smem:$0x3FAB] =	sst s2  }
0xb: {  	[smem:$0x3FAC] =	sst s3  }
0xc: {  	[smem:$0x3FAD] =	sst s4  }
0xd: {  	[smem:$0x3FAE] =	sst s5  }
0xe: {  	[smem:$0x3FAF] =	sst s6  }
0xf: {  	[smem:$0x3FB0] =	sst s7  }
0x10: {  	[smem:$0x3FB1] =	sst s8  }
0x11: {  	[smem:$0x3FB2] =	sst s9;
	s0 =	simm.s32 @!p0 $0x0  }
0x12: {  	s1 =	sld [smem:$0x3F98];
	s0 =	simm.s32 @p0 $0x1  }
0x13: {  	[smem:$0x3FB3] =	sst s0;
	s0 =	simm.s32 @!p1 $0x0  }
0x14: {  	s2 =	sld [smem:$0x3F97];
	s0 =	simm.s32 @p1 $0x1  }
0x15: {  	[smem:$0x3FB4] =	sst s0;
	s0 =	simm.s32 @!p2 $0x0  }
0x16: {  	s3 =	sld [smem:$0x3FDB];
	s0 =	simm.s32 @p2 $0x1  }
0x17: {  	s4 =	simm.s32 $0x1BF5;
	[smem:$0x3FB6] =	sst s0  }
0x18: {  	s0 =	sld [smem:$0x3F99];
	_ =	swait.ge [sflag:s4], $0x0  }
0x19: {  	s7 =	sld [smem:$0x3F9A]  }
0x1a: {  	s8 =	sadd.s32 $0xFFFFE003, lr  }
0x1b: {  	s9 =	sadd.s32 $0xFFFFFEF7, lr;
	s5 =	simm.s32 $0xFFFFFFFF;
	p2 =	slt.u32 s8, $0xFFFFF086  }
0x1c: {  	p1 =	slt.u32 s9, $0xF7A;
	s5 =	simm.s32 @!p2 $0x0  }
0x1d: {  	s5 =	simm.s32 @p1 $0x1;
	p0 =	seq.s32 s7, s2  }
0x1e: {  	s7 =	smul.u32 @!p0 $0xF7A, s2;
	p2 =	seq.s32 @!p0 s5, $0x0  }
0x1f: {  	s9 =	smul.u32 $0xF7A, s1;
	s8 =	simm.s32 @!p0 $0x1BF5;
	p2 =	por !p2, p0  }
0x20: {  	[sflag:s8] =	ssyncset.s32 @!p0 $0xFFFFF086;
	s6 =	sadd.s32 @!p0 s3, s7;
	s7 =	simm.s32 @!p0 $0x108  }
0x21: {  	s3 =	sadd.s32 s3, s9;
	s6 =	sadd.s32 @!p0 $0x88, s6;
	s7 =	simm.s32 @p2 $0x1082  }
0x22: {  	[simem:s7], [sflag:s8] =	dma.local @!p0 [hbm:s6], $0xF7A  }
0x23: {  	s9 =	sor.u32 $0xD0000000, s2;
	s6 =	simm.s32 $0x108;
	_ =	swait.ge @!p0 [sflag:s8], $0x0  }
0x24: {  	s3 =	sadd.s32 $0x88, s3;
	s6 =	simm.s32 @!p1 $0x1082;
	[sflag:s4] =	ssyncset.s32 $0xFFFFF086  }
0x25: {  	[simem:s6], [sflag:s4] =	dma.local [hbm:s3], $0xF7A  }
0x26: {  	[smem:$0x3F9A] =	sst s1;
	(tag) =	ssettag s2;
	_ =	strace s9  }
0x27: {  	s1 =	sld [smem:$0x3FAA]  }
0x28: {  	s2 =	sld [smem:$0x3FAB]  }
0x29: {  	s4 =	sld [smem:$0x3FAD]  }
0x2a: {  	p0 =	seq.s32 s5, $0x0;
	s5 =	sld [smem:$0x3FAE]  }
0x2b: {  	s6 =	sld [smem:$0x3FAF]  }
0x2c: {  	s7 =	sld [smem:$0x3FB0]  }
0x2d: {  	s3 =	simm.s32 $0x108;
	s8 =	sld [smem:$0x3FB1]  }
0x2e: {  	s3 =	simm.s32 @!p0 $0x1082;
	s9 =	sld [smem:$0x3FB2]  }
0x2f: {  	lr =	sadd.s32 s0, s3;
	s0 =	sld [smem:$0x3FA9]  }
0x30: {  	s3 =	sld [smem:$0x3FAC]  }
0x31: {  	[smem:$0x3FB5] =	sst s10  }
0x32: {  	s10 =	sld [smem:$0x3FB3];
	_ =	sdelay $0x3  }
0x33: {  	p0 =	seq.s32 s10, $0x1;
	s10 =	sld [smem:$0x3FB5];
	_ =	sdelay $0x3  }
0x34: {  	[smem:$0x3FB5] =	sst s10  }
0x35: {  	s10 =	sld [smem:$0x3FB4];
	_ =	sdelay $0x3  }
0x36: {  	p1 =	seq.s32 s10, $0x1;
	s10 =	sld [smem:$0x3FB5];
	_ =	sdelay $0x3  }
0x37: {  	[smem:$0x3FB5] =	sst s10  }
0x38: {  	s10 =	sld [smem:$0x3FB6]  }
0x39: {  	_ = 	snop;
	(pc) =	sbr.ind lr, $3  }
0x3a: {  	_ = 	snop  }
0x3b: {  	_ = 	snop  }
0x3c: {  	p2 =	seq.s32 s10, $0x1;
	s10 =	sld [smem:$0x3FB5]  }
0x3d: {  	_ =	shalt  }
0x3e: {  	_ =	shalt  }
0x3f: {  	_ =	shalt  }
0x40: {  	_ =	shalt  }
0x41: {  	_ =	shalt  }
0x42: {  	_ =	shalt  }
0x43: {  	_ =	shalt  }
0x44: {  	_ =	shalt  }
0x45: {  	_ =	shalt  }
0x46: {  	_ =	shalt  }
0x47: {  	_ =	shalt  }
0x48: {  	_ =	shalt  }
0x49: {  	_ =	shalt  }
0x4a: {  	_ =	shalt  }
0x4b: {  	_ =	shalt  }
0x4c: {  	_ =	shalt  }
0x4d: {  	_ =	shalt  }
0x4e: {  	_ =	shalt  }
0x4f: {  	_ =	shalt  }
0x50: {  	_ =	shalt  }
0x51: {  	_ =	shalt  }
0x52: {  	_ =	shalt  }
0x53: {  	_ =	shalt  }
0x54: {  	_ =	shalt  }
0x55: {  	_ =	shalt  }
0x56: {  	_ =	shalt  }
0x57: {  	_ =	shalt  }
0x58: {  	_ =	shalt  }
0x59: {  	_ =	shalt  }
0x5a: {  	_ =	shalt  }
0x5b: {  	_ =	shalt  }
0x5c: {  	_ =	shalt  }
0x5d: {  	_ =	shalt  }
0x5e: {  	_ =	shalt  }
0x5f: {  	_ =	shalt  }
0x60: {  	_ =	shalt  }
0x61: {  	_ =	shalt  }
0x62: {  	_ =	shalt  }
0x63: {  	_ =	shalt  }
0x64: {  	_ =	shalt  }
0x65: {  	_ =	shalt  }
0x66: {  	_ =	shalt  }
0x67: {  	_ =	shalt  }
0x68: {  	_ =	shalt  }
0x69: {  	_ =	shalt  }
0x6a: {  	_ =	shalt  }
0x6b: {  	_ =	shalt  }
0x6c: {  	_ =	shalt  }
0x6d: {  	_ =	shalt  }
0x6e: {  	_ =	shalt  }
0x6f: {  	_ =	shalt  }
0x70: {  	_ =	shalt  }
0x71: {  	_ =	shalt  }
0x72: {  	_ =	shalt  }
0x73: {  	_ =	shalt  }
0x74: {  	_ =	shalt  }
0x75: {  	_ =	shalt  }
0x76: {  	_ =	shalt  }
0x77: {  	_ =	shalt  }
0x78: {  	_ =	shalt  }
0x79: {  	_ =	shalt  }
0x7a: {  	_ =	shalt  }
0x7b: {  	_ =	shalt  }
0x7c: {  	_ =	shalt  }
0x7d: {  	_ =	shalt  }
0x7e: {  	_ =	shalt  }
0x7f: {  	_ =	shalt  }
0x80: {  	_ =	shalt  }
0x81: {  	_ =	shalt  }
0x82: {  	_ =	shalt  }
0x83: {  	_ =	shalt  }
0x84: {  	_ =	shalt  }
0x85: {  	_ =	shalt  }
0x86: {  	_ =	shalt  }
0x87: {  	_ =	shalt  }
.Lfunc_end0:
.L_simem_size_0:
called_computation.1_lowered:
.L_overlay_start_0:
0x88: {  	s2 =	sld [smem:$0x3FD9]  }
0x89: {  	s3 =	sld [smem:$0x3FFE];
	_ =	sdelay $0x1  }
0x8a: {  	s1 =	srdreg.scid  }
0x8b: {  	s0 =	sand.u32 $0x1, s1  }
0x8c: {  	s17 =	sshll.u32 s0, $0xA;
	s2 =	sadd.s32 s3, s2  }
0x8d: {  	s2 =	sadd.s32 s2, s17  }
0x8e: {  	[smem:$0x3FC1] =	sst s2  }
0x8f: {  	_ = 	snop  }
0x90: {  	s18 =	sld [smem:$0x3FC7];
	(tm) =	ssettm $0x1  }
0x91: {  	s19 =	sld [smem:$0x3FFB];
	_ =	sdelay $0x3  }
0x92: {  	_ =	strace s19  }
0x93: {  	s2 =	sld [smem:$0x3FFC];
	_ =	sdelay $0x3  }
0x94: {  	_ =	strace s2  }
0x95: {  	s2 =	sld [smem:$0x3FFD];
	_ =	sdelay $0x3  }
0x96: {  	_ =	strace s2  }
0x97: {  	_ =	strace $0x8FFFFFFF  }
0x98: {  	s20 =	sld [smem:$0x3FDB];
	_ =	sdelay $0x1  }
0x99: {  	s4 =	simm.s32 $_scs_section_size  }
0x9a: {  	s5 =	simm.s32 $_size__tile_overlayer_lowered;
	s6 =	simm.s32 $_tile_overlayer_lowered  }
0x9b: {  	s7 =	simm.s32 $0x1BFF;
	s21 =	sshll.u32 s6, $0x1;
	s4 =	sadd.s32 s4, s20  }
0x9c: {  	s22 =	simm.s32 $0x0;
	s5 =	sshll.u32 s5, $0x1;
	s6 =	sadd.s32 s21, s4  }
0x9d: {  	[timem:s22], [sflag:s7] =	dma.local [hbm:s6], s5  }
0x9e: {  	_ =	swait.ge [sflag:s7], s5  }
0x9f: {  	s5 =	ssub.s32 $0x0, s5;
	[sflag:s7] =	ssyncset.done $0x0  }
0xa0: {  	[sflag:s7] =	ssyncadd.s32 s5;
	_ =	sdelay $0x1  }
0xa1: {  	s23 =	simm.s32 $0x1B8B  }
0xa2: {  	_ =	swait.ge [sflag:s23], $0x1  }
0xa3: {  	[sflag:s23] =	ssyncset.done $0x0  }
0xa4: {  	[sflag:s23] =	ssyncadd.s32 $0xFFFFFFFF  }
0xa5: {  	s5 =	sld [smem:$0x0]  }
0xa6: {  	s6 =	sand.u32 $0xFFFFFFFE, s1  }
0xa7: {  	p0 =	sne.s32 s1, s6  }
0xa8: {  	s6 =	sshll.u32 @p0 s6, $0xE  }
0xa9: {  	s6 =	sadd.s32 @p0 $0x11B8D, s6;
	s7 =	sshll.u32 @p0 s5, $0x11  }
0xaa: {  	s6 =	sor.u32 @p0 s7, s6  }
0xab: {  	[sflag:s6] =	ssyncadd.remote.s32 @p0 $0x1;
	_ =	sdelay $0x1  }
0xac: {  	s6 =	simm.s32 @p0 $0x1B8D  }
0xad: {  	_ =	swait.eq @p0 [sflag:s6], $0x1  }
0xae: {  	[sflag:s6] =	ssyncadd.s32 @p0 $0xFFFFFFFF  }
0xaf: {  	s7 =	sshll.u32 @!p0 s1, $0xE  }
0xb0: {  	s7 =	sor.u32 @!p0 $0x4000, s7;
	s6 =	simm.s32 @!p0 $0x1B8D  }
0xb1: {  	s5 =	sshll.u32 @!p0 s5, $0x11;
	s7 =	sadd.s32 @!p0 $0x11B8D, s7;
	_ =	swait.eq @!p0 [sflag:s6], $0x1  }
0xb2: {  	s5 =	sor.u32 @!p0 s5, s7;
	[sflag:s6] =	ssyncadd.s32 @!p0 $0xFFFFFFFF  }
0xb3: {  	s25 =	simm.s32 $0x1B8E;
	s24 =	sld [smem:$0x3FFE];
	[sflag:s5] =	ssyncadd.remote.s32 @!p0 $0x1  }
0xb4: {  	s26 =	simm.s32 $execute0_lowered;
	[smem:$0x3FD2] =	sst s25  }
0xb5: {  	s6 =	sshll.u32 s26, $0x1;
	_ =	strace $0x80000049;
	[dreg:$0x1] =	wrdreg $0xFFFFFFFF  }
0xb6: {  	s28 =	simm.s32 $_size_execute0_lowered;
	s4 =	sadd.s32 s4, s6;
	[dreg:$0x0] =	wrdreg $0x0  }
0xb7: {  	s6 =	sshll.u32 s28, $0x1;
	[dreg:$0x2] =	wrdreg s4  }
0xb8: {  	[dreg:$0x3] =	wrdreg s6  }
0xb9: {  	[dreg:$0x4] =	wrdreg $0xC0  }
0xba: {  	_ =	task [dreg:s22], $0x5FFFF  }
0xbb: {  	[dreg:$0x1] =	wrdreg $0xFFFFFFFF  }
0xbc: {  	[dreg:$0x0] =	wrdreg $0x60  }
0xbd: {  	[dreg:$0x2] =	wrdreg s24  }
0xbe: {  	[dreg:$0x3] =	wrdreg s18  }
0xbf: {  	[dreg:$0x4] =	wrdreg $0xA  }
0xc0: {  	_ =	task.clear_ibuf [dreg:s22], $0x5FFFF;
	_ =	strace $0x90000049  }
0xc1: {  	s29 =	simm.s32 $0xA;
	_ =	strace $0x8000004B  }
0xc2: {  	_ =	swait.ge [sflag:s29], $0x1  }
0xc3: {  	[sflag:s29] =	ssyncadd.s32 $0xFFFFFFFF  }
0xc4: {  	_ =	strace $0x9000004B  }
0xc5: {  	_ =	sfence  }
0xc6: {  	s30 =	sld [smem:$0x0];
	_ =	sdelay $0x2  }
0xc7: {  	s31 =	sshll.u32 s1, $0xD;
	s1 =	sshrl.u32 s1, $0x2  }
0xc8: {  	s4 =	sand.u32 $0x4000, s31;
	s1 =	sadd.s32 s1, s30  }
0xc9: {  	s0 =	sor.u32 s4, s0;
	s1 =	sshll.u32 s1, $0x11  }
0xca: {  	s0 =	sor.u32 s1, s0  }
0xcb: {  	s0 =	sadd.s32 $0x8F2B, s0  }
0xcc: {  	[sflag:s0] =	ssyncadd.remote.s32 $0x1  }
0xcd: {  	_ =	sfence.sel $0xFFFF  }
0xce: {  	[dreg:$0x0] =	wrdreg $0xFFFFFFFF;
	(pc) =	sbr.abs _section_cstart, $3  }
0xcf: {  	[dreg:$0x1] =	wrdreg $0xFFFFFFFF  }
0xd0: {  	_ =	task.clear_ibuf [dreg:s22], $0x2FFFF;
	_ =	strace $0x9FFFFFFF  }
0xd1: {  	(tm) =	ssettm $0x7FFFFFFF  }
tec
execute0_lowered:
.L_overlay_start_1:
0x0: {  	(tag) =	ssettag $0x1  }
0x1: {  	s0 =	srdreg.scid  }
0x2: {  	s2 =	stileid.u32;
	s0 =	sand.u32 $0x1, s0  }
0x3: {  	s1 =	rddreg [dreg:$0x0];
	s3 =	sshll.u32 s2, $0x8;
	s4 =	sshll.u32 s0, $0x7  }
0x4: {  	s2 =	rddreg [dreg:$0x1];
	s4 =	sor.u32 s4, s3;
	s3 =	simm.s32 $0x0  }
0x5: {  	s18 =	simm.s32 $0x8880;
	[smem:$0x7FF] =	sst s3  }
0x6: {  	s19 =	simm.s32 $0x9080;
	_ =	strace $0x8000004A;
	[dreg:$0x8] =	wrdreg s18  }
0x7: {  	s20 =	simm.s32 $0x9880;
	[dreg:$0x9] =	wrdreg s19  }
0x8: {  	s21 =	simm.s32 $0xA080;
	[dreg:$0xa] =	wrdreg s20  }
0x9: {  	s22 =	simm.s32 $0xA880;
	[dreg:$0xb] =	wrdreg s21  }
0xa: {  	s23 =	simm.s32 $0xB080;
	[dreg:$0xc] =	wrdreg s22  }
0xb: {  	s24 =	simm.s32 $0xB880;
	[dreg:$0xd] =	wrdreg s23  }
0xc: {  	s26 =	simm.s32 $0xC080;
	s6 =	simm.s32 $0xD080;
	[dreg:$0xe] =	wrdreg s24  }
0xd: {  	s7 =	simm.s32 $0xD880;
	s8 =	simm.s32 $0xE080;
	[dreg:$0xf] =	wrdreg s26  }
0xe: {  	s9 =	simm.s32 $0xE880;
	s10 =	simm.s32 $0xF080;
	[dreg:$0x11] =	wrdreg s6  }
0xf: {  	s11 =	simm.s32 $0xF880;
	s12 =	simm.s32 $0x10880;
	[dreg:$0x12] =	wrdreg s7  }
0x10: {  	s13 =	simm.s32 $0x11080;
	s30 =	simm.s32 $0x4;
	[dreg:$0x13] =	wrdreg s8  }
0x11: {  	s31 =	simm.s32 $0x3;
	s28 =	simm.s32 $0x7880;
	[dreg:$0x14] =	wrdreg s9  }
0x12: {  	s29 =	simm.s32 $0x10080;
	s0 =	ssub.s32 $0x2, s0;
	[dreg:$0x15] =	wrdreg s10  }
0x13: {  	s25 =	sshrl.u32 s0, $0x1;
	s5 =	sshrl.u32 s4, $0x3;
	[dreg:$0x16] =	wrdreg s11  }
0x14: {  	s4 =	sshll.u32 s4, $0x7;
	s0 =	ssub.s32 s0, s25;
	[dreg:$0x17] =	wrdreg s12  }
0x15: {  	s25 =	simm.s32 $0x17080;
	s5 =	sadd.s32 s5, s1;
	[dreg:$0x18] =	wrdreg s13  }
0x16: {  	s1 =	sadd.s32 s4, s1;
	s18 =	simm.s32 $0x13880;
	[smem:$0x7FC] =	sst s25  }
0x17: {  	s4 =	sadd.s32 $0x100, s2;
	s19 =	simm.s32 $0x14080;
	[dreg:$0x1d] =	wrdreg s18  }
0x18: {  	s6 =	sadd.s32 $0x300, s2;
	s20 =	simm.s32 $0x14880;
	[dreg:$0x1e] =	wrdreg s19  }
0x19: {  	s7 =	smax.u32 s0, $0x1;
	s21 =	simm.s32 $0x15080;
	[dreg:$0x1f] =	wrdreg s20  }
0x1a: {  	s9 =	simm.s32 $0x80;
	s22 =	simm.s32 $0x15880;
	[smem:$0x7F8] =	sst s21  }
0x1b: {  	s23 =	simm.s32 $0x16080;
	s24 =	simm.s32 $0x16880;
	[smem:$0x7F9] =	sst s22  }
0x1c: {  	s26 =	simm.s32 $0x17880;
	s0 =	simm.s32 $0x6;
	[smem:$0x7FA] =	sst s23  }
0x1d: {  	s12 =	simm.s32 $0x880;
	s13 =	simm.s32 $0x1080;
	[smem:$0x7FB] =	sst s24  }
0x1e: {  	s25 =	simm.s32 $0x7080;
	s14 =	sadd.s32 $0x1400, s5;
	[smem:$0x7FD] =	sst s26  }
0x1f: {  	s15 =	sadd.s32 $0x81600, s1;
	s16 =	sadd.s32 $0x82600, s1;
	[dreg:$0x3] =	wrdreg s14  }
0x20: {  	s17 =	sadd.s32 $0x83600, s1;
	s1 =	sadd.s32 $0x84600, s1;
	[dreg:$0x4] =	wrdreg s15  }
0x21: {  	s5 =	simm.s32 $0xC880;
	s26 =	simm.s32 $0x1;
	[dreg:$0x5] =	wrdreg s16  }
0x22: {  	s18 =	simm.s32 $0x3880;
	s19 =	simm.s32 $0x4080;
	[dreg:$0x6] =	wrdreg s17  }
0x23: {  	s20 =	simm.s32 $0x4880;
	s21 =	simm.s32 $0x5080;
	[dreg:$0x7] =	wrdreg s1  }
0x24: {  	s22 =	simm.s32 $0x5880;
	[dreg:$0x10] =	wrdreg s5;
	s14 =	simm.s32 $0x11880  }
0x25: {  	s23 =	simm.s32 $0x6080;
	s15 =	simm.s32 $0x12080;
	[dreg:$0x19] =	wrdreg s14  }
0x26: {  	s24 =	simm.s32 $0x6880;
	s16 =	simm.s32 $0x12880;
	[dreg:$0x1a] =	wrdreg s15  }
0x27: {  	v2 =	vlaneseq.u32;
	s5 =	sadd.s32 $0x200, s2;
	s17 =	simm.s32 $0x13080;
	[dreg:$0x1b] =	wrdreg s16  }
0x28: {  	vm0 =	vmmov $0xffff;
	v1 =	vshrl.u32 v2, $0x3;
	s1 =	simm.s32 $0x5;
	[dreg:$0x1c] =	wrdreg s17;
	s14 =	simm.s32 $0x1880  }
0x29: {  	v0 =	vand.u32 $0x7, v2;
	v2 =	vor.u32 $0x8, v2;
	v1 =	vmul.u32 $0x8, v1;
	s15 =	simm.s32 $0x2080;
	s16 =	simm.s32 $0x2880;
	s17 =	simm.s32 $0x3080  }
.LBB2_1:
0x2a: {  	s10 =	rddreg [dreg:$0x3];
	s8 =	simm.s32 $0x7  }
0x2b: {  	[tilespmem:s3], [sflag:$0x7] =	stream.linear.gather [hbm4b:s10+s3], $0x80, $0x38;
	[tilespmem:$0x18080] =	vst v63  }
0x2c: {  	_ =	swait.ge [sflag:s8], $0x80  }
0x2d: {  	[sflag:s8] =	ssyncset.done $0x0  }
0x2e: {  	[sflag:s8] =	ssyncadd.s32 $0xFFFFFF80  }
0x2f: {  	v3 =	vld [tilespmem:$0x0];
	_ =	sdelay $0x4  }
0x30: {  	v4 =	vshll.u32 v3, $0x3  }
0x31: {  	v3 =	vand.u32 $0x7, v3;
	v4 =	vand.u32 $0xFFFFFFC0, v4  }
0x32: {  	v3 =	vor.u32 v3, v4  }
0x33: {  	v4 =	vperm.xlane v3, v0;
	_ =	sdelay $0x1  }
0x34: {  	v4 =	vadd.s32 v1, v4;
	_ =	sdelay $0x4  }
0x35: {  	[tilespmem:s9], [sflag:$0x1] =	stream.indirect_vreg.gather [hbm4b:s2+s3], $0x80, v4, vm0, $0xb8;
	[tilespmem:$0x18080] =	vst v63  }
0x36: {  	v3 =	vperm.xlane v3, v2  }
0x37: {  	[tilespmem:s12], [sflag:$0x1] =	stream.indirect_vreg.gather [hbm4b:s4+s3], $0x80, v4, vm0, $0xb8;
	[tilespmem:$0x18080] =	vst v63  }
0x38: {  	v3 =	vadd.s32 v1, v3  }
0x39: {  	[tilespmem:s13], [sflag:$0x1] =	stream.indirect_vreg.gather [hbm4b:s5+s3], $0x80, v4, vm0, $0xb8;
	[tilespmem:$0x18080] =	vst v63  }
0x3a: {  	_ = 	snop  }
0x3b: {  	[tilespmem:s14], [sflag:$0x1] =	stream.indirect_vreg.gather [hbm4b:s6+s3], $0x80, v4, vm0, $0xb8;
	[tilespmem:$0x18080] =	vst v63  }
0x3c: {  	_ = 	snop  }
0x3d: {  	[tilespmem:s15], [sflag:$0x1] =	stream.indirect_vreg.gather [hbm4b:s2+s3], $0x80, v3, vm0, $0xb8;
	[tilespmem:$0x18080] =	vst v63  }
0x3e: {  	_ = 	snop  }
0x3f: {  	[tilespmem:s16], [sflag:$0x1] =	stream.indirect_vreg.gather [hbm4b:s4+s3], $0x80, v3, vm0, $0xb8;
	[tilespmem:$0x18080] =	vst v63  }
0x40: {  	_ = 	snop  }
0x41: {  	[tilespmem:s17], [sflag:$0x1] =	stream.indirect_vreg.gather [hbm4b:s5+s3], $0x80, v3, vm0, $0xb8;
	[tilespmem:$0x18080] =	vst v63  }
0x42: {  	_ = 	snop  }
0x43: {  	[tilespmem:s18], [sflag:$0x1] =	stream.indirect_vreg.gather [hbm4b:s6+s3], $0x80, v3, vm0, $0xb8;
	[tilespmem:$0x18080] =	vst v63  }
0x44: {  	v3 =	vld [tilespmem:$0x10];
	_ =	sdelay $0x4  }
0x45: {  	v57 =	vshll.u32 v3, $0x3  }
0x46: {  	v3 =	vand.u32 $0x7, v3;
	v4 =	vand.u32 $0xFFFFFFC0, v57  }
0x47: {  	v3 =	vor.u32 v3, v4  }
0x48: {  	v4 =	vperm.xlane v3, v0;
	_ =	sdelay $0x1  }
0x49: {  	v4 =	vadd.s32 v1, v4;
	_ =	sdelay $0x4  }
0x4a: {  	[tilespmem:s19], [sflag:$0x1] =	stream.indirect_vreg.gather [hbm4b:s2+s3], $0x80, v4, vm0, $0xb8;
	[tilespmem:$0x18080] =	vst v63  }
0x4b: {  	v3 =	vperm.xlane v3, v2  }
0x4c: {  	[tilespmem:s20], [sflag:$0x1] =	stream.indirect_vreg.gather [hbm4b:s4+s3], $0x80, v4, vm0, $0xb8;
	[tilespmem:$0x18080] =	vst v63  }
0x4d: {  	v3 =	vadd.s32 v1, v3  }
0x4e: {  	[tilespmem:s21], [sflag:$0x1] =	stream.indirect_vreg.gather [hbm4b:s5+s3], $0x80, v4, vm0, $0xb8;
	[tilespmem:$0x18080] =	vst v63  }
0x4f: {  	_ = 	snop  }
0x50: {  	[tilespmem:s22], [sflag:$0x1] =	stream.indirect_vreg.gather [hbm4b:s6+s3], $0x80, v4, vm0, $0xb8;
	[tilespmem:$0x18080] =	vst v63  }
0x51: {  	_ = 	snop  }
0x52: {  	[tilespmem:s23], [sflag:$0x1] =	stream.indirect_vreg.gather [hbm4b:s2+s3], $0x80, v3, vm0, $0xb8;
	[tilespmem:$0x18080] =	vst v63  }
0x53: {  	_ = 	snop  }
0x54: {  	[tilespmem:s24], [sflag:$0x1] =	stream.indirect_vreg.gather [hbm4b:s4+s3], $0x80, v3, vm0, $0xb8;
	[tilespmem:$0x18080] =	vst v63  }
0x55: {  	_ = 	snop  }
0x56: {  	[tilespmem:s25], [sflag:$0x1] =	stream.indirect_vreg.gather [hbm4b:s5+s3], $0x80, v3, vm0, $0xb8;
	[tilespmem:$0x18080] =	vst v63  }
0x57: {  	_ = 	snop  }
0x58: {  	[tilespmem:s28], [sflag:$0x1] =	stream.indirect_vreg.gather [hbm4b:s6+s3], $0x80, v3, vm0, $0xb8;
	[tilespmem:$0x18080] =	vst v63  }
0x59: {  	v3 =	vld [tilespmem:$0x20];
	_ =	sdelay $0x4  }
0x5a: {  	v58 =	vshll.u32 v3, $0x3  }
0x5b: {  	v3 =	vand.u32 $0x7, v3;
	v4 =	vand.u32 $0xFFFFFFC0, v58  }
0x5c: {  	v3 =	vor.u32 v3, v4  }
0x5d: {  	v4 =	vperm.xlane v3, v0;
	_ =	sdelay $0x1  }
0x5e: {  	v4 =	vadd.s32 v1, v4;
	_ =	sdelay $0x3  }
0x5f: {  	s8 =	simm.s32 $0x8080  }
0x60: {  	[tilespmem:s8], [sflag:$0x2] =	stream.indirect_vreg.gather [hbm4b:s2+s3], $0x80, v4, vm0, $0xb8;
	[tilespmem:$0x18080] =	vst v63  }
0x61: {  	s10 =	rddreg [dreg:$0x8];
	v3 =	vperm.xlane v3, v2  }
0x62: {  	[tilespmem:s10], [sflag:$0x2] =	stream.indirect_vreg.gather [hbm4b:s4+s3], $0x80, v4, vm0, $0xb8;
	[tilespmem:$0x18080] =	vst v63  }
0x63: {  	s11 =	rddreg [dreg:$0x9];
	v3 =	vadd.s32 v1, v3  }
0x64: {  	[tilespmem:s11], [sflag:$0x2] =	stream.indirect_vreg.gather [hbm4b:s5+s3], $0x80, v4, vm0, $0xb8;
	[tilespmem:$0x18080] =	vst v63  }
0x65: {  	s10 =	rddreg [dreg:$0xa]  }
0x66: {  	[tilespmem:s10], [sflag:$0x2] =	stream.indirect_vreg.gather [hbm4b:s6+s3], $0x80, v4, vm0, $0xb8;
	[tilespmem:$0x18080] =	vst v63  }
0x67: {  	s11 =	rddreg [dreg:$0xb]  }
0x68: {  	[tilespmem:s11], [sflag:$0x2] =	stream.indirect_vreg.gather [hbm4b:s2+s3], $0x80, v3, vm0, $0xb8;
	[tilespmem:$0x18080] =	vst v63  }
0x69: {  	s10 =	rddreg [dreg:$0xc]  }
0x6a: {  	[tilespmem:s10], [sflag:$0x2] =	stream.indirect_vreg.gather [hbm4b:s4+s3], $0x80, v3, vm0, $0xb8;
	[tilespmem:$0x18080] =	vst v63  }
0x6b: {  	s11 =	rddreg [dreg:$0xd]  }
0x6c: {  	[tilespmem:s11], [sflag:$0x2] =	stream.indirect_vreg.gather [hbm4b:s5+s3], $0x80, v3, vm0, $0xb8;
	[tilespmem:$0x18080] =	vst v63  }
0x6d: {  	s10 =	rddreg [dreg:$0xe]  }
0x6e: {  	[tilespmem:s10], [sflag:$0x2] =	stream.indirect_vreg.gather [hbm4b:s6+s3], $0x80, v3, vm0, $0xb8;
	[tilespmem:$0x18080] =	vst v63  }
0x6f: {  	v3 =	vld [tilespmem:$0x30];
	_ =	sdelay $0x4  }
0x70: {  	v59 =	vshll.u32 v3, $0x3  }
0x71: {  	v3 =	vand.u32 $0x7, v3;
	v4 =	vand.u32 $0xFFFFFFC0, v59  }
0x72: {  	v3 =	vor.u32 v3, v4  }
0x73: {  	v4 =	vperm.xlane v3, v0;
	_ =	sdelay $0x1  }
0x74: {  	v4 =	vadd.s32 v1, v4;
	_ =	sdelay $0x3  }
0x75: {  	s10 =	rddreg [dreg:$0xf]  }
0x76: {  	[tilespmem:s10], [sflag:$0x2] =	stream.indirect_vreg.gather [hbm4b:s2+s3], $0x80, v4, vm0, $0xb8;
	[tilespmem:$0x18080] =	vst v63  }
0x77: {  	s11 =	rddreg [dreg:$0x10];
	v3 =	vperm.xlane v3, v2  }
0x78: {  	[tilespmem:s11], [sflag:$0x2] =	stream.indirect_vreg.gather [hbm4b:s4+s3], $0x80, v4, vm0, $0xb8;
	[tilespmem:$0x18080] =	vst v63  }
0x79: {  	v3 =	vadd.s32 v1, v3;
	s10 =	rddreg [dreg:$0x11]  }
0x7a: {  	[tilespmem:s10], [sflag:$0x2] =	stream.indirect_vreg.gather [hbm4b:s5+s3], $0x80, v4, vm0, $0xb8;
	[tilespmem:$0x18080] =	vst v63  }
0x7b: {  	s11 =	rddreg [dreg:$0x12]  }
0x7c: {  	[tilespmem:s11], [sflag:$0x2] =	stream.indirect_vreg.gather [hbm4b:s6+s3], $0x80, v4, vm0, $0xb8;
	[tilespmem:$0x18080] =	vst v63  }
0x7d: {  	s10 =	rddreg [dreg:$0x13]  }
0x7e: {  	[tilespmem:s10], [sflag:$0x2] =	stream.indirect_vreg.gather [hbm4b:s2+s3], $0x80, v3, vm0, $0xb8;
	[tilespmem:$0x18080] =	vst v63  }
0x7f: {  	s11 =	rddreg [dreg:$0x14]  }
0x80: {  	[tilespmem:s11], [sflag:$0x2] =	stream.indirect_vreg.gather [hbm4b:s4+s3], $0x80, v3, vm0, $0xb8;
	[tilespmem:$0x18080] =	vst v63  }
0x81: {  	s10 =	rddreg [dreg:$0x15]  }
0x82: {  	[tilespmem:s10], [sflag:$0x2] =	stream.indirect_vreg.gather [hbm4b:s5+s3], $0x80, v3, vm0, $0xb8;
	[tilespmem:$0x18080] =	vst v63  }
0x83: {  	s11 =	rddreg [dreg:$0x16]  }
0x84: {  	[tilespmem:s11], [sflag:$0x2] =	stream.indirect_vreg.gather [hbm4b:s6+s3], $0x80, v3, vm0, $0xb8;
	[tilespmem:$0x18080] =	vst v63  }
0x85: {  	_ =	swait.ge [sflag:s26], $0x8000  }
0x86: {  	[sflag:s26] =	ssyncset.done $0x0  }
0x87: {  	[sflag:s26] =	ssyncadd.s32 $0xFFFF8000  }
0x88: {  	v3 =	vld [tilespmem:$0x40];
	_ =	sdelay $0x4  }
0x89: {  	v60 =	vshll.u32 v3, $0x3  }
0x8a: {  	v3 =	vand.u32 $0x7, v3;
	v4 =	vand.u32 $0xFFFFFFC0, v60  }
0x8b: {  	v3 =	vor.u32 v3, v4  }
0x8c: {  	v4 =	vperm.xlane v3, v0;
	_ =	sdelay $0x1  }
0x8d: {  	v4 =	vadd.s32 v1, v4;
	_ =	sdelay $0x4  }
0x8e: {  	[tilespmem:s29], [sflag:$0x3] =	stream.indirect_vreg.gather [hbm4b:s2+s3], $0x80, v4, vm0, $0xb8;
	[tilespmem:$0x18080] =	vst v63  }
0x8f: {  	s10 =	rddreg [dreg:$0x17];
	v3 =	vperm.xlane v3, v2  }
0x90: {  	[tilespmem:s10], [sflag:$0x3] =	stream.indirect_vreg.gather [hbm4b:s4+s3], $0x80, v4, vm0, $0xb8;
	[tilespmem:$0x18080] =	vst v63  }
0x91: {  	s11 =	rddreg [dreg:$0x18];
	v3 =	vadd.s32 v1, v3  }
0x92: {  	[tilespmem:s11], [sflag:$0x3] =	stream.indirect_vreg.gather [hbm4b:s5+s3], $0x80, v4, vm0, $0xb8;
	[tilespmem:$0x18080] =	vst v63  }
0x93: {  	s10 =	rddreg [dreg:$0x19]  }
0x94: {  	[tilespmem:s10], [sflag:$0x3] =	stream.indirect_vreg.gather [hbm4b:s6+s3], $0x80, v4, vm0, $0xb8;
	[tilespmem:$0x18080] =	vst v63  }
0x95: {  	s11 =	rddreg [dreg:$0x1a]  }
0x96: {  	[tilespmem:s11], [sflag:$0x3] =	stream.indirect_vreg.gather [hbm4b:s2+s3], $0x80, v3, vm0, $0xb8;
	[tilespmem:$0x18080] =	vst v63  }
0x97: {  	s10 =	rddreg [dreg:$0x1b]  }
0x98: {  	[tilespmem:s10], [sflag:$0x3] =	stream.indirect_vreg.gather [hbm4b:s4+s3], $0x80, v3, vm0, $0xb8;
	[tilespmem:$0x18080] =	vst v63  }
0x99: {  	s11 =	rddreg [dreg:$0x1c]  }
0x9a: {  	[tilespmem:s11], [sflag:$0x3] =	stream.indirect_vreg.gather [hbm4b:s5+s3], $0x80, v3, vm0, $0xb8;
	[tilespmem:$0x18080] =	vst v63  }
0x9b: {  	s10 =	rddreg [dreg:$0x1d]  }
0x9c: {  	[tilespmem:s10], [sflag:$0x3] =	stream.indirect_vreg.gather [hbm4b:s6+s3], $0x80, v3, vm0, $0xb8;
	[tilespmem:$0x18080] =	vst v63  }
0x9d: {  	v3 =	vld [tilespmem:$0x50];
	_ =	sdelay $0x4  }
0x9e: {  	v61 =	vshll.u32 v3, $0x3  }
0x9f: {  	v3 =	vand.u32 $0x7, v3;
	v4 =	vand.u32 $0xFFFFFFC0, v61  }
0xa0: {  	v3 =	vor.u32 v3, v4  }
0xa1: {  	v4 =	vperm.xlane v3, v0;
	_ =	sdelay $0x1  }
0xa2: {  	v4 =	vadd.s32 v1, v4;
	_ =	sdelay $0x2  }
0xa3: {  	s11 =	rddreg [dreg:$0x1f]  }
0xa4: {  	s10 =	rddreg [dreg:$0x1e]  }
0xa5: {  	[tilespmem:s10], [sflag:$0x3] =	stream.indirect_vreg.gather [hbm4b:s2+s3], $0x80, v4, vm0, $0xb8;
	[tilespmem:$0x18080] =	vst v63  }
0xa6: {  	v3 =	vperm.xlane v3, v2;
	s10 =	sld [smem:$0x7F8]  }
0xa7: {  	[tilespmem:s11], [sflag:$0x3] =	stream.indirect_vreg.gather [hbm4b:s4+s3], $0x80, v4, vm0, $0xb8;
	[tilespmem:$0x18080] =	vst v63  }
0xa8: {  	v3 =	vadd.s32 v1, v3;
	s11 =	sld [smem:$0x7F9]  }
0xa9: {  	[tilespmem:s10], [sflag:$0x3] =	stream.indirect_vreg.gather [hbm4b:s5+s3], $0x80, v4, vm0, $0xb8;
	[tilespmem:$0x18080] =	vst v63  }
0xaa: {  	s10 =	sld [smem:$0x7FA]  }
0xab: {  	[tilespmem:s11], [sflag:$0x3] =	stream.indirect_vreg.gather [hbm4b:s6+s3], $0x80, v4, vm0, $0xb8;
	[tilespmem:$0x18080] =	vst v63  }
0xac: {  	s11 =	sld [smem:$0x7FB]  }
0xad: {  	[tilespmem:s10], [sflag:$0x3] =	stream.indirect_vreg.gather [hbm4b:s2+s3], $0x80, v3, vm0, $0xb8;
	[tilespmem:$0x18080] =	vst v63  }
0xae: {  	s10 =	sld [smem:$0x7FC]  }
0xaf: {  	[tilespmem:s11], [sflag:$0x3] =	stream.indirect_vreg.gather [hbm4b:s4+s3], $0x80, v3, vm0, $0xb8;
	[tilespmem:$0x18080] =	vst v63  }
0xb0: {  	s11 =	sld [smem:$0x7FD]  }
0xb1: {  	[tilespmem:s10], [sflag:$0x3] =	stream.indirect_vreg.gather [hbm4b:s5+s3], $0x80, v3, vm0, $0xb8;
	[tilespmem:$0x18080] =	vst v63  }
0xb2: {  	_ = 	snop  }
0xb3: {  	[tilespmem:s11], [sflag:$0x3] =	stream.indirect_vreg.gather [hbm4b:s6+s3], $0x80, v3, vm0, $0xb8;
	[tilespmem:$0x18080] =	vst v63  }
0xb4: {  	s10 =	rddreg [dreg:$0x4];
	s11 =	simm.s32 $0x2  }
0xb5: {  	[hbm4b:s10+s3] =	stream.linear.scatter [tilespmem:s9], [sflag:$0x4], $0x8000, $0x38;
	[tilespmem:$0x18080] =	vst v63  }
0xb6: {  	_ =	swait.ge [sflag:s11], $0x8000  }
0xb7: {  	[sflag:s11] =	ssyncset.done $0x0  }
0xb8: {  	[sflag:s11] =	ssyncadd.s32 $0xFFFF8000  }
0xb9: {  	_ =	swait.ge [sflag:s30], $0x8000  }
0xba: {  	[sflag:s30] =	ssyncset.done $0x0  }
0xbb: {  	[sflag:s30] =	ssyncadd.s32 $0xFFFF8000  }
0xbc: {  	v3 =	vld [tilespmem:$0x60];
	_ =	sdelay $0x4  }
0xbd: {  	v62 =	vshll.u32 v3, $0x3  }
0xbe: {  	v3 =	vand.u32 $0x7, v3;
	v4 =	vand.u32 $0xFFFFFFC0, v62  }
0xbf: {  	v3 =	vor.u32 v3, v4  }
0xc0: {  	v4 =	vperm.xlane v3, v0;
	_ =	sdelay $0x1  }
0xc1: {  	v4 =	vadd.s32 v1, v4;
	_ =	sdelay $0x4  }
0xc2: {  	[tilespmem:s9], [sflag:$0x1] =	stream.indirect_vreg.gather [hbm4b:s2+s3], $0x80, v4, vm0, $0xb8;
	[tilespmem:$0x18080] =	vst v63  }
0xc3: {  	v3 =	vperm.xlane v3, v2  }
0xc4: {  	[tilespmem:s12], [sflag:$0x1] =	stream.indirect_vreg.gather [hbm4b:s4+s3], $0x80, v4, vm0, $0xb8;
	[tilespmem:$0x18080] =	vst v63  }
0xc5: {  	v3 =	vadd.s32 v1, v3  }
0xc6: {  	[tilespmem:s13], [sflag:$0x1] =	stream.indirect_vreg.gather [hbm4b:s5+s3], $0x80, v4, vm0, $0xb8;
	[tilespmem:$0x18080] =	vst v63  }
0xc7: {  	_ = 	snop  }
0xc8: {  	[tilespmem:s14], [sflag:$0x1] =	stream.indirect_vreg.gather [hbm4b:s6+s3], $0x80, v4, vm0, $0xb8;
	[tilespmem:$0x18080] =	vst v63  }
0xc9: {  	_ = 	snop  }
0xca: {  	[tilespmem:s15], [sflag:$0x1] =	stream.indirect_vreg.gather [hbm4b:s2+s3], $0x80, v3, vm0, $0xb8;
	[tilespmem:$0x18080] =	vst v63  }
0xcb: {  	_ = 	snop  }
0xcc: {  	[tilespmem:s16], [sflag:$0x1] =	stream.indirect_vreg.gather [hbm4b:s4+s3], $0x80, v3, vm0, $0xb8;
	[tilespmem:$0x18080] =	vst v63  }
0xcd: {  	_ = 	snop  }
0xce: {  	[tilespmem:s17], [sflag:$0x1] =	stream.indirect_vreg.gather [hbm4b:s5+s3], $0x80, v3, vm0, $0xb8;
	[tilespmem:$0x18080] =	vst v63  }
0xcf: {  	_ = 	snop  }
0xd0: {  	[tilespmem:s18], [sflag:$0x1] =	stream.indirect_vreg.gather [hbm4b:s6+s3], $0x80, v3, vm0, $0xb8;
	[tilespmem:$0x18080] =	vst v63  }
0xd1: {  	v3 =	vld [tilespmem:$0x70];
	_ =	sdelay $0x4  }
0xd2: {  	v63 =	vshll.u32 v3, $0x3  }
0xd3: {  	v3 =	vand.u32 $0x7, v3;
	v4 =	vand.u32 $0xFFFFFFC0, v63  }
0xd4: {  	v3 =	vor.u32 v3, v4  }
0xd5: {  	v4 =	vperm.xlane v3, v0;
	_ =	sdelay $0x1  }
0xd6: {  	v4 =	vadd.s32 v1, v4;
	_ =	sdelay $0x4  }
0xd7: {  	[tilespmem:s19], [sflag:$0x1] =	stream.indirect_vreg.gather [hbm4b:s2+s3], $0x80, v4, vm0, $0xb8;
	[tilespmem:$0x18080] =	vst v63  }
0xd8: {  	v3 =	vperm.xlane v3, v2  }
0xd9: {  	[tilespmem:s20], [sflag:$0x1] =	stream.indirect_vreg.gather [hbm4b:s4+s3], $0x80, v4, vm0, $0xb8;
	[tilespmem:$0x18080] =	vst v63  }
0xda: {  	v3 =	vadd.s32 v1, v3  }
0xdb: {  	[tilespmem:s21], [sflag:$0x1] =	stream.indirect_vreg.gather [hbm4b:s5+s3], $0x80, v4, vm0, $0xb8;
	[tilespmem:$0x18080] =	vst v63  }
0xdc: {  	_ = 	snop  }
0xdd: {  	[tilespmem:s22], [sflag:$0x1] =	stream.indirect_vreg.gather [hbm4b:s6+s3], $0x80, v4, vm0, $0xb8;
	[tilespmem:$0x18080] =	vst v63  }
0xde: {  	_ = 	snop  }
0xdf: {  	[tilespmem:s23], [sflag:$0x1] =	stream.indirect_vreg.gather [hbm4b:s2+s3], $0x80, v3, vm0, $0xb8;
	[tilespmem:$0x18080] =	vst v63  }
0xe0: {  	_ = 	snop  }
0xe1: {  	[tilespmem:s24], [sflag:$0x1] =	stream.indirect_vreg.gather [hbm4b:s4+s3], $0x80, v3, vm0, $0xb8;
	[tilespmem:$0x18080] =	vst v63  }
0xe2: {  	_ = 	snop  }
0xe3: {  	[tilespmem:s25], [sflag:$0x1] =	stream.indirect_vreg.gather [hbm4b:s5+s3], $0x80, v3, vm0, $0xb8;
	[tilespmem:$0x18080] =	vst v63  }
0xe4: {  	_ = 	snop  }
0xe5: {  	[tilespmem:s28], [sflag:$0x1] =	stream.indirect_vreg.gather [hbm4b:s6+s3], $0x80, v3, vm0, $0xb8;
	[tilespmem:$0x18080] =	vst v63  }
0xe6: {  	s11 =	rddreg [dreg:$0x5]  }
0xe7: {  	[hbm4b:s11+s3] =	stream.linear.scatter [tilespmem:s8], [sflag:$0x5], $0x8000, $0x38;
	[tilespmem:$0x18080] =	vst v63  }
0xe8: {  	_ =	swait.ge [sflag:s31], $0x8000  }
0xe9: {  	[sflag:s31] =	ssyncset.done $0x0  }
0xea: {  	s8 =	rddreg [dreg:$0x6];
	[sflag:s31] =	ssyncadd.s32 $0xFFFF8000  }
0xeb: {  	[hbm4b:s8+s3] =	stream.linear.scatter [tilespmem:s29], [sflag:$0x6], $0x8000, $0x38;
	[tilespmem:$0x18080] =	vst v63  }
0xec: {  	_ =	swait.ge [sflag:s26], $0x8000  }
0xed: {  	[sflag:s26] =	ssyncset.done $0x0  }
0xee: {  	s11 =	rddreg [dreg:$0x7];
	[sflag:s26] =	ssyncadd.s32 $0xFFFF8000  }
0xef: {  	[hbm4b:s11+s3] =	stream.linear.scatter [tilespmem:s9], [sflag:$0x4], $0x8000, $0x38;
	[tilespmem:$0x18080] =	vst v63  }
0xf0: {  	_ =	swait.ge [sflag:s30], $0x8000  }
0xf1: {  	[sflag:s30] =	ssyncset.done $0x0  }
0xf2: {  	[sflag:s30] =	ssyncadd.s32 $0xFFFF8000  }
0xf3: {  	p0 =	sne.s32 s7, $0x1;
	_ =	swait.ge [sflag:s1], $0x8000  }
.Ltmp0:
0xf4: {  	[sflag:s1] =	ssyncset.done $0x0;
	(pc) =	sbr.rel @p0 .LBB2_1-.Ltmp0, $4  }
0xf5: {  	[sflag:s1] =	ssyncadd.s32 $0xFFFF8000  }
0xf6: {  	_ =	swait.ge [sflag:s0], $0x8000  }
0xf7: {  	[sflag:s0] =	ssyncset.done $0x0  }
0xf8: {  	s7 =	sadd.s32 $0xFFFFFFFF, s7;
	[sflag:s0] =	ssyncadd.s32 $0xFFFF8000  }
0xf9: {  	_ =	sfence.sel $0x180000  }
0xfa: {  	[bflag:$0x0] =	sbarrier.arrive $0xFFFF  }
0xfb: {  	_ =	strace $0x9000004A  }
0xfc: {  	s0 =	stileid.u32;
	[bflag:$0x2] =	sbarrier.arrive $0xFFFF  }
0xfd: {  	p0 =	sne.s32 s0, $0x0;
	s0 =	rddreg [dreg:$0x2]  }
0xfe: {  	s0 =	sadd.s32 @!p0 $0x100000, s0  }
0xff: {  	[sflag:s0] =	ssyncadd.tile.s32 @!p0 $0x1;
	_ =	shalt  }
.Lfunc_end2:
_tile_overlayer_lowered:
.L_overlay_start_2:
0x100: {  	(tag) =	ssettag $0x2  }
0x101: {  	s0 =	rddreg [dreg:$0x0];
	s2 =	stileid.u32  }
0x102: {  	s1 =	rddreg [dreg:$0x1];
	p0 =	sne.s32 s2, $0x0  }
0x103: {  	s3 =	rddreg [dreg:$0x2];
	[bflag:$0x3] =	sbarrier.arrive $0xFFFF;
	s2 =	simm.s32 @!p0 $0x1C07  }
0x104: {  	[timem:s3], [sflag:s2] =	dma.local @!p0 [hbm:s0], s1  }
0x105: {  	s0 =	simm.s32 @!p0 $0x7  }
0x106: {  	_ =	swait.ge @!p0 [sflag:s0], s1  }
0x107: {  	s1 =	ssub.s32 @!p0 $0x0, s1;
	[sflag:s0] =	ssyncset.done @!p0 $0x0  }
0x108: {  	[sflag:s0] =	ssyncadd.s32 @!p0 s1  }
0x109: {  	[bflag:$0x3] =	sbarrier.arrive $0xFFFF  }
0x10a: {  	_ =	shalt  }

</sc_bundles>
